<compile_context>
chip_gen: v7x
topology: tpu7x:2x2x1
jax: 0.10.2.dev20260603
libtpu: 0.0.44.dev20260713+nightly
codegen_flags: <defaults>
</compile_context>

<pallas_src>
import functools

import jax
import jax.numpy as jnp
from jax import lax
from jax.experimental import pallas as pl
from jax.experimental.pallas import tpu as pltpu
from jax.experimental.pallas import tpu_sc as plsc

D = 768
H = 3072
N = 8192
T = 512
_KS = (128, 256, 384, 768)

_info = plsc.get_sparse_core_info()
_NC, _NS = _info.num_cores, _info.num_subcores
_NW = _NC * _NS
_RPW = N // _NW
_CH = 128


def _routing_body(tm_ref, pos_ref, es_ref):
    tm = tm_ref[...]
    R, C = tm.shape
    iu = lax.broadcasted_iota(jnp.int32, (C, C), 0)
    ju = lax.broadcasted_iota(jnp.int32, (C, C), 1)
    tri_u = (iu <= ju).astype(jnp.float32)
    il = lax.broadcasted_iota(jnp.int32, (R, R), 0)
    jl = lax.broadcasted_iota(jnp.int32, (R, R), 1)
    tri_l = (jl <= il).astype(jnp.float32)
    pos = jnp.zeros((R, C), jnp.float32)
    offset = jnp.float32(0.0)
    ccs = []
    for m in range(4):
        a = (tm == m).astype(jnp.float32)
        rc = jnp.dot(a, tri_u, preferred_element_type=jnp.float32)
        rt = rc[:, C - 1:C]
        co = jnp.dot(tri_l, rt, preferred_element_type=jnp.float32)
        rank = rc - a + (co - rt)
        tot = jnp.sum(a)
        pos = pos + a * (offset + rank)
        offset = offset + tot
        ccs.append(offset)
    pos_ref[...] = pos.astype(jnp.int32)
    p = (lax.broadcasted_iota(jnp.int32, (R, C), 0) * C +
         lax.broadcasted_iota(jnp.int32, (R, C), 1)).astype(jnp.float32)
    es = jnp.zeros((R, C), jnp.int32)
    for m in range(4):
        es = es + (p >= ccs[m]).astype(jnp.int32)
    es_ref[...] = es


_sc_mesh = plsc.VectorSubcoreMesh(core_axis_name="c", subcore_axis_name="s")


@functools.partial(
    pl.kernel, mesh=_sc_mesh,
    out_type=jax.ShapeDtypeStruct((N, D), jnp.float32),
    scratch_types=[
        pltpu.VMEM((_CH,), jnp.int32),
        pltpu.VMEM((_CH, D), jnp.float32),
        pltpu.SemaphoreType.DMA,
    ],
)
def _dispatch(x_hbm, pos_hbm, xs_hbm, idx_v, rows_v, sem):
    wid = lax.axis_index("s") * _NC + lax.axis_index("c")
    for j in range(_RPW // _CH):
        base = wid * _RPW + j * _CH
        pltpu.sync_copy(pos_hbm.at[pl.ds(base, _CH)], idx_v)
        pltpu.sync_copy(x_hbm.at[pl.ds(base, _CH)], rows_v)
        pltpu.async_copy(rows_v, xs_hbm.at[idx_v], sem).wait()


@functools.partial(
    pl.kernel, mesh=_sc_mesh,
    out_type=jax.ShapeDtypeStruct((N, D), jnp.float32),
    scratch_types=[
        pltpu.VMEM((_CH,), jnp.int32),
        pltpu.VMEM((_CH, D), jnp.float32),
        pltpu.SemaphoreType.DMA,
    ],
)
def _combine(ys_hbm, pos_hbm, out_hbm, idx_v, rows_v, sem):
    wid = lax.axis_index("s") * _NC + lax.axis_index("c")
    for j in range(_RPW // _CH):
        base = wid * _RPW + j * _CH
        pltpu.sync_copy(pos_hbm.at[pl.ds(base, _CH)], idx_v)
        pltpu.async_copy(ys_hbm.at[idx_v], rows_v, sem).wait()
        pltpu.sync_copy(rows_v, out_hbm.at[pl.ds(base, _CH)])


def _ffn_body(x_ref, es_ref, w1_ref, b1_ref, w2_ref, b2_ref, out_ref,
              w1t_ref, w2t_ref):
    Tb, Dd = x_ref.shape

    @pl.when(pl.program_id(0) == 0)
    def _():
        w1t_ref[...] = w1_ref[...].astype(jnp.bfloat16).T
        w2t_ref[...] = w2_ref[...].astype(jnp.bfloat16).T

    es = es_ref[...]
    be = es_ref[Tb - 1, 0]
    thresh = jnp.where(es == 0, 96,
             jnp.where(es == 1, 192,
             jnp.where(es == 2, 384, 768)))
    b1 = b1_ref[...]
    for m in range(4):
        K = _KS[m]
        @pl.when(be == m)
        def _(K=K):
            col = lax.broadcasted_iota(jnp.int32, (Tb, K), 1)
            mask = col < thresh
            xm = jnp.where(mask, x_ref[:, :K], 0.0).astype(jnp.bfloat16)
            h = jnp.dot(xm, w1t_ref[:K, :], preferred_element_type=jnp.float32)
            h = h + b1
            h = 0.5 * h * (1.0 + lax.erf(h * 0.7071067811865476))
            y = jnp.dot(h.astype(jnp.bfloat16), w2t_ref[:, :K],
                        preferred_element_type=jnp.float32)
            y = y + b2_ref[:, :K]
            out_ref[:, :K] = jnp.where(mask, y, 0.0)
            if K < Dd:
                out_ref[:, K:] = jnp.zeros((Tb, Dd - K), jnp.float32)


@functools.partial(jax.jit, static_argnames=())
def kernel(x, token_mask, w1, b1, w2, b2):
    B, S, Dd = x.shape
    xf = x.reshape(N, D)
    tm2d = token_mask.reshape(64, 128).astype(jnp.int32)
    pos, es = pl.pallas_call(
        _routing_body,
        out_shape=(jax.ShapeDtypeStruct((64, 128), jnp.int32),
                   jax.ShapeDtypeStruct((64, 128), jnp.int32)),
    )(tm2d)
    posf = pos.reshape(N)
    xs = _dispatch(xf, posf)
    b1r = b1.reshape(1, H)
    b2r = b2.reshape(1, D)
    es2 = es.reshape(N, 1)
    ys = pl.pallas_call(
        _ffn_body,
        grid=(N // T,),
        in_specs=[
            pl.BlockSpec((T, D), lambda i: (i, 0)),
            pl.BlockSpec((T, 1), lambda i: (i, 0)),
            pl.BlockSpec((H, D), lambda i: (0, 0)),
            pl.BlockSpec((1, H), lambda i: (0, 0)),
            pl.BlockSpec((D, H), lambda i: (0, 0)),
            pl.BlockSpec((1, D), lambda i: (0, 0)),
        ],
        out_specs=pl.BlockSpec((T, D), lambda i: (i, 0)),
        out_shape=jax.ShapeDtypeStruct((N, D), jnp.float32),
        scratch_shapes=[
            pltpu.VMEM((D, H), jnp.bfloat16),
            pltpu.VMEM((H, D), jnp.bfloat16),
        ],
        compiler_params=pltpu.CompilerParams(
            dimension_semantics=("arbitrary",),
        ),
    )(xs, es2, w1, b1r, w2, b2r)
    out = _combine(ys, posf)
    return out.reshape(B, S, Dd)

# --- scband reference (transcript-rebuilt; emitter-appended) ---
"""Pipeline reference for scband-nested-feed-forward-73761768341873 (READ-ONLY COPY).

The authoritative reference and input builder live on the scoring server;
editing this copy changes nothing except your own understanding.
"""

import jax, jax.numpy as jnp
import numpy as np

DIM = 768
EXP = 4
NUM_EXPERTS = 4
BATCH = 2
SEQ = 4096


def setup_inputs(seed: int = 0) -> dict:
    key = jax.random.key(seed)
    ks = jax.random.split(key, 6)
    hid = DIM * EXP
    x = jax.random.normal(ks[0], (BATCH, SEQ, DIM), dtype=jnp.float32)
    token_mask = jax.random.randint(ks[1], (BATCH, SEQ), 0, NUM_EXPERTS, dtype=jnp.int64)
    w1 = jax.random.normal(ks[2], (hid, DIM), dtype=jnp.float32) * (1.0 / np.sqrt(DIM))
    b1 = jax.random.normal(ks[3], (hid,), dtype=jnp.float32) * 0.01
    w2 = jax.random.normal(ks[4], (DIM, hid), dtype=jnp.float32) * (1.0 / np.sqrt(hid))
    b2 = jax.random.normal(ks[5], (DIM,), dtype=jnp.float32) * 0.01
    return {"x": x, "token_mask": token_mask, "w1": w1, "b1": b1, "w2": w2, "b2": b2}


def reference(x, token_mask, w1, b1, w2, b2):
    # NestedFeedForward: proj1 = NestedLinearExpand(dim, dim*exp), GELU,
    # proj2 = NestedLinearContract(dim*exp, dim). Each token is routed to a
    # nested sub-network m: expert m uses only the first D_m = dim >> (E-m-1)
    # input features in the expand, and produces only the first D_m output
    # features in the contract (rest zero-padded).
    B, S, dim = x.shape
    xf = x.reshape(B * S, dim)
    tm = token_mask.reshape(B * S)
    out = jnp.zeros((B * S, dim), dtype=x.dtype)
    feat_idx = jnp.arange(dim)
    for m in range(NUM_EXPERTS):
        D_m = dim >> (NUM_EXPERTS - m - 1)
        # expand: x_m = x[:, :D_m] @ w1[:, :D_m].T + b1  (done via masking input)
        x_m = jnp.where(feat_idx[None, :] < D_m, xf, jnp.zeros_like(xf))
        h = x_m @ w1.T + b1
        h = jax.nn.gelu(h, approximate=False)
        # contract: y = h @ w2[:D_m].T + b2[:D_m], padded to full dim
        y = h @ w2[:D_m, :].T + b2[:D_m]
        y = jnp.pad(y, ((0, 0), (0, dim - D_m)))
        out = jnp.where((tm == m)[:, None], y, out)
    return out.reshape(B, S, dim)

if __name__ == "__main__":
    import jax
    _d = setup_inputs()
    print(jax.jit(kernel)(*tuple(_d.values())))

</pallas_src>

<mosaic_0001>
#map = affine_map<(d0, d1) -> (0, 0)>
#map1 = affine_map<(d0, d1) -> (0)>
module attributes {stable_mosaic.version = 14 : i64} {
  func.func @_combine(%arg0: i32, %arg1: i32, %arg2: memref<8192x768xf32, #tpu.memory_space<hbm>>, %arg3: memref<8192xi32, #tpu.memory_space<hbm>>, %arg4: memref<8192x768xf32, #tpu.memory_space<hbm>>, %arg5: memref<128xi32, #tpu.memory_space<vmem>>, %arg6: memref<128x768xf32, #tpu.memory_space<vmem>>, %arg7: memref<!tpu.dma_semaphore, #tpu.memory_space<semaphore_mem>>) attributes {dimension_semantics = [#tpu.dimension_semantics<core_parallel>, #tpu.dimension_semantics<subcore_parallel>], iteration_bounds = array<i64: 2, 16>, scalar_prefetch = 0 : i64, scratch_operands = 3 : i64, tpu.core_type = #tpu.core_type<sc_vector_subcore>, window_params = [{transform_indices = #map}, {transform_indices = #map1}, {transform_indices = #map}]} {
    %mul3A = arith.constant 2 : i32
    %mul3A_0 = arith.muli %arg1, %mul3A : i32
    %add3A = arith.addi %mul3A_0, %arg0 : i32
    %mul3A_1 = arith.constant 256 : i32
    %mul3A_2 = arith.muli %add3A, %mul3A_1 : i32
    %add3A_3 = arith.constant 0 : i32
    %add3A_4 = arith.addi %mul3A_2, %add3A_3 : i32
    "tpu.region"() ({
      %run_scoped3A = tpu.sem_alloc : memref<!tpu.dma_semaphore, #tpu.memory_space<semaphore_mem>>
      %dma_start3A_19 = tpu.memref_slice %arg3[%add3A_4] : memref<8192xi32, #tpu.memory_space<hbm>> -> memref<128xi32, #tpu.memory_space<hbm>>
      %dma_start3A_20 = tpu.memref_slice %arg3[%add3A_4] : memref<8192xi32, #tpu.memory_space<hbm>> -> memref<128xi32, #tpu.memory_space<hbm>>
      tpu.enqueue_dma source(%dma_start3A_20 : memref<128xi32, #tpu.memory_space<hbm>>) target(%arg5 : memref<128xi32, #tpu.memory_space<vmem>>) target_semaphore(%run_scoped3A : memref<!tpu.dma_semaphore, #tpu.memory_space<semaphore_mem>>)
      %dma_wait3A_21 = tpu.memref_slice %arg3[%add3A_4] : memref<8192xi32, #tpu.memory_space<hbm>> -> memref<128xi32, #tpu.memory_space<hbm>>
      %dma_wait3A_22 = tpu.memref_slice %arg3[%add3A_4] : memref<8192xi32, #tpu.memory_space<hbm>> -> memref<128xi32, #tpu.memory_space<hbm>>
      tpu.wait_dma2 semaphore(%run_scoped3A : memref<!tpu.dma_semaphore, #tpu.memory_space<semaphore_mem>>) src(%dma_wait3A_22 : memref<128xi32, #tpu.memory_space<hbm>>) dst(%arg5 : memref<128xi32, #tpu.memory_space<vmem>>)
      tpu.yield
    }) : () -> ()
    %dma_start3A = arith.constant 0 : i32
    %dma_start3A_5 = arith.constant 0 : i32
    %dma_start3A_6 = tpu.memref_slice %arg2[%dma_start3A, %dma_start3A_5] : memref<8192x768xf32, #tpu.memory_space<hbm>> -> memref<8192x768xf32, #tpu.memory_space<hbm>>
    tpu.enqueue_indirect_dma source(%dma_start3A_6 : memref<8192x768xf32, #tpu.memory_space<hbm>>) target(%arg6 : memref<128x768xf32, #tpu.memory_space<vmem>>) offsets(%arg5 : memref<128xi32, #tpu.memory_space<vmem>>) semaphore(%arg7 : memref<!tpu.dma_semaphore, #tpu.memory_space<semaphore_mem>>)
    %dma_wait3A = arith.constant 0 : i32
    %dma_wait3A_7 = arith.constant 0 : i32
    %dma_wait3A_8 = tpu.memref_slice %arg2[%dma_wait3A, %dma_wait3A_7] : memref<8192x768xf32, #tpu.memory_space<hbm>> -> memref<8192x768xf32, #tpu.memory_space<hbm>>
    tpu.wait_indirect_dma semaphore(%arg7 : memref<!tpu.dma_semaphore, #tpu.memory_space<semaphore_mem>>) src(%dma_wait3A_8 : memref<8192x768xf32, #tpu.memory_space<hbm>>) dst(%arg6 : memref<128x768xf32, #tpu.memory_space<vmem>>)
    "tpu.region"() ({
      %run_scoped3A = tpu.sem_alloc : memref<!tpu.dma_semaphore, #tpu.memory_space<semaphore_mem>>
      %dma_start3A_19 = arith.constant 0 : i32
      %dma_start3A_20 = tpu.memref_slice %arg4[%add3A_4, %dma_start3A_19] : memref<8192x768xf32, #tpu.memory_space<hbm>> -> memref<128x768xf32, #tpu.memory_space<hbm>>
      %dma_start3A_21 = arith.constant 0 : i32
      %dma_start3A_22 = tpu.memref_slice %arg4[%add3A_4, %dma_start3A_21] : memref<8192x768xf32, #tpu.memory_space<hbm>> -> memref<128x768xf32, #tpu.memory_space<hbm>>
      tpu.enqueue_dma source(%arg6 : memref<128x768xf32, #tpu.memory_space<vmem>>) target(%dma_start3A_22 : memref<128x768xf32, #tpu.memory_space<hbm>>) target_semaphore(%run_scoped3A : memref<!tpu.dma_semaphore, #tpu.memory_space<semaphore_mem>>)
      %dma_wait3A_23 = arith.constant 0 : i32
      %dma_wait3A_24 = tpu.memref_slice %arg4[%add3A_4, %dma_wait3A_23] : memref<8192x768xf32, #tpu.memory_space<hbm>> -> memref<128x768xf32, #tpu.memory_space<hbm>>
      %dma_wait3A_25 = arith.constant 0 : i32
      %dma_wait3A_26 = tpu.memref_slice %arg4[%add3A_4, %dma_wait3A_25] : memref<8192x768xf32, #tpu.memory_space<hbm>> -> memref<128x768xf32, #tpu.memory_space<hbm>>
      tpu.wait_dma2 semaphore(%run_scoped3A : memref<!tpu.dma_semaphore, #tpu.memory_space<semaphore_mem>>) src(%arg6 : memref<128x768xf32, #tpu.memory_space<vmem>>) dst(%dma_wait3A_26 : memref<128x768xf32, #tpu.memory_space<hbm>>)
      tpu.yield
    }) : () -> ()
    %mul3A_9 = arith.constant 256 : i32
    %mul3A_10 = arith.muli %add3A, %mul3A_9 : i32
    %add3A_11 = arith.constant 128 : i32
    %add3A_12 = arith.addi %mul3A_10, %add3A_11 : i32
    "tpu.region"() ({
      %run_scoped3A = tpu.sem_alloc : memref<!tpu.dma_semaphore, #tpu.memory_space<semaphore_mem>>
      %dma_start3A_19 = tpu.memref_slice %arg3[%add3A_12] : memref<8192xi32, #tpu.memory_space<hbm>> -> memref<128xi32, #tpu.memory_space<hbm>>
      %dma_start3A_20 = tpu.memref_slice %arg3[%add3A_12] : memref<8192xi32, #tpu.memory_space<hbm>> -> memref<128xi32, #tpu.memory_space<hbm>>
      tpu.enqueue_dma source(%dma_start3A_20 : memref<128xi32, #tpu.memory_space<hbm>>) target(%arg5 : memref<128xi32, #tpu.memory_space<vmem>>) target_semaphore(%run_scoped3A : memref<!tpu.dma_semaphore, #tpu.memory_space<semaphore_mem>>)
      %dma_wait3A_21 = tpu.memref_slice %arg3[%add3A_12] : memref<8192xi32, #tpu.memory_space<hbm>> -> memref<128xi32, #tpu.memory_space<hbm>>
      %dma_wait3A_22 = tpu.memref_slice %arg3[%add3A_12] : memref<8192xi32, #tpu.memory_space<hbm>> -> memref<128xi32, #tpu.memory_space<hbm>>
      tpu.wait_dma2 semaphore(%run_scoped3A : memref<!tpu.dma_semaphore, #tpu.memory_space<semaphore_mem>>) src(%dma_wait3A_22 : memref<128xi32, #tpu.memory_space<hbm>>) dst(%arg5 : memref<128xi32, #tpu.memory_space<vmem>>)
      tpu.yield
    }) : () -> ()
    %dma_start3A_13 = arith.constant 0 : i32
    %dma_start3A_14 = arith.constant 0 : i32
    %dma_start3A_15 = tpu.memref_slice %arg2[%dma_start3A_13, %dma_start3A_14] : memref<8192x768xf32, #tpu.memory_space<hbm>> -> memref<8192x768xf32, #tpu.memory_space<hbm>>
    tpu.enqueue_indirect_dma source(%dma_start3A_15 : memref<8192x768xf32, #tpu.memory_space<hbm>>) target(%arg6 : memref<128x768xf32, #tpu.memory_space<vmem>>) offsets(%arg5 : memref<128xi32, #tpu.memory_space<vmem>>) semaphore(%arg7 : memref<!tpu.dma_semaphore, #tpu.memory_space<semaphore_mem>>)
    %dma_wait3A_16 = arith.constant 0 : i32
    %dma_wait3A_17 = arith.constant 0 : i32
    %dma_wait3A_18 = tpu.memref_slice %arg2[%dma_wait3A_16, %dma_wait3A_17] : memref<8192x768xf32, #tpu.memory_space<hbm>> -> memref<8192x768xf32, #tpu.memory_space<hbm>>
    tpu.wait_indirect_dma semaphore(%arg7 : memref<!tpu.dma_semaphore, #tpu.memory_space<semaphore_mem>>) src(%dma_wait3A_18 : memref<8192x768xf32, #tpu.memory_space<hbm>>) dst(%arg6 : memref<128x768xf32, #tpu.memory_space<vmem>>)
    "tpu.region"() ({
      %run_scoped3A = tpu.sem_alloc : memref<!tpu.dma_semaphore, #tpu.memory_space<semaphore_mem>>
      %dma_start3A_19 = arith.constant 0 : i32
      %dma_start3A_20 = tpu.memref_slice %arg4[%add3A_12, %dma_start3A_19] : memref<8192x768xf32, #tpu.memory_space<hbm>> -> memref<128x768xf32, #tpu.memory_space<hbm>>
      %dma_start3A_21 = arith.constant 0 : i32
      %dma_start3A_22 = tpu.memref_slice %arg4[%add3A_12, %dma_start3A_21] : memref<8192x768xf32, #tpu.memory_space<hbm>> -> memref<128x768xf32, #tpu.memory_space<hbm>>
      tpu.enqueue_dma source(%arg6 : memref<128x768xf32, #tpu.memory_space<vmem>>) target(%dma_start3A_22 : memref<128x768xf32, #tpu.memory_space<hbm>>) target_semaphore(%run_scoped3A : memref<!tpu.dma_semaphore, #tpu.memory_space<semaphore_mem>>)
      %dma_wait3A_23 = arith.constant 0 : i32
      %dma_wait3A_24 = tpu.memref_slice %arg4[%add3A_12, %dma_wait3A_23] : memref<8192x768xf32, #tpu.memory_space<hbm>> -> memref<128x768xf32, #tpu.memory_space<hbm>>
      %dma_wait3A_25 = arith.constant 0 : i32
      %dma_wait3A_26 = tpu.memref_slice %arg4[%add3A_12, %dma_wait3A_25] : memref<8192x768xf32, #tpu.memory_space<hbm>> -> memref<128x768xf32, #tpu.memory_space<hbm>>
      tpu.wait_dma2 semaphore(%run_scoped3A : memref<!tpu.dma_semaphore, #tpu.memory_space<semaphore_mem>>) src(%arg6 : memref<128x768xf32, #tpu.memory_space<vmem>>) dst(%dma_wait3A_26 : memref<128x768xf32, #tpu.memory_space<hbm>>)
      tpu.yield
    }) : () -> ()
    return
  }
}

#map = affine_map<(d0, d1) -> (0, 0)>
#map1 = affine_map<(d0, d1) -> (0)>
module attributes {stable_mosaic.version = 14 : i64} {
  func.func @_dispatch(%arg0: i32, %arg1: i32, %arg2: memref<8192x768xf32, #tpu.memory_space<hbm>>, %arg3: memref<8192xi32, #tpu.memory_space<hbm>>, %arg4: memref<8192x768xf32, #tpu.memory_space<hbm>>, %arg5: memref<128xi32, #tpu.memory_space<vmem>>, %arg6: memref<128x768xf32, #tpu.memory_space<vmem>>, %arg7: memref<!tpu.dma_semaphore, #tpu.memory_space<semaphore_mem>>) attributes {dimension_semantics = [#tpu.dimension_semantics<core_parallel>, #tpu.dimension_semantics<subcore_parallel>], iteration_bounds = array<i64: 2, 16>, scalar_prefetch = 0 : i64, scratch_operands = 3 : i64, tpu.core_type = #tpu.core_type<sc_vector_subcore>, window_params = [{transform_indices = #map}, {transform_indices = #map1}, {transform_indices = #map}]} {
    %mul3A = arith.constant 2 : i32
    %mul3A_0 = arith.muli %arg1, %mul3A : i32
    %add3A = arith.addi %mul3A_0, %arg0 : i32
    %mul3A_1 = arith.constant 256 : i32
    %mul3A_2 = arith.muli %add3A, %mul3A_1 : i32
    %add3A_3 = arith.constant 0 : i32
    %add3A_4 = arith.addi %mul3A_2, %add3A_3 : i32
    "tpu.region"() ({
      %run_scoped3A = tpu.sem_alloc : memref<!tpu.dma_semaphore, #tpu.memory_space<semaphore_mem>>
      %dma_start3A_19 = tpu.memref_slice %arg3[%add3A_4] : memref<8192xi32, #tpu.memory_space<hbm>> -> memref<128xi32, #tpu.memory_space<hbm>>
      %dma_start3A_20 = tpu.memref_slice %arg3[%add3A_4] : memref<8192xi32, #tpu.memory_space<hbm>> -> memref<128xi32, #tpu.memory_space<hbm>>
      tpu.enqueue_dma source(%dma_start3A_20 : memref<128xi32, #tpu.memory_space<hbm>>) target(%arg5 : memref<128xi32, #tpu.memory_space<vmem>>) target_semaphore(%run_scoped3A : memref<!tpu.dma_semaphore, #tpu.memory_space<semaphore_mem>>)
      %dma_wait3A_21 = tpu.memref_slice %arg3[%add3A_4] : memref<8192xi32, #tpu.memory_space<hbm>> -> memref<128xi32, #tpu.memory_space<hbm>>
      %dma_wait3A_22 = tpu.memref_slice %arg3[%add3A_4] : memref<8192xi32, #tpu.memory_space<hbm>> -> memref<128xi32, #tpu.memory_space<hbm>>
      tpu.wait_dma2 semaphore(%run_scoped3A : memref<!tpu.dma_semaphore, #tpu.memory_space<semaphore_mem>>) src(%dma_wait3A_22 : memref<128xi32, #tpu.memory_space<hbm>>) dst(%arg5 : memref<128xi32, #tpu.memory_space<vmem>>)
      tpu.yield
    }) : () -> ()
    "tpu.region"() ({
      %run_scoped3A = tpu.sem_alloc : memref<!tpu.dma_semaphore, #tpu.memory_space<semaphore_mem>>
      %dma_start3A_19 = arith.constant 0 : i32
      %dma_start3A_20 = tpu.memref_slice %arg2[%add3A_4, %dma_start3A_19] : memref<8192x768xf32, #tpu.memory_space<hbm>> -> memref<128x768xf32, #tpu.memory_space<hbm>>
      %dma_start3A_21 = arith.constant 0 : i32
      %dma_start3A_22 = tpu.memref_slice %arg2[%add3A_4, %dma_start3A_21] : memref<8192x768xf32, #tpu.memory_space<hbm>> -> memref<128x768xf32, #tpu.memory_space<hbm>>
      tpu.enqueue_dma source(%dma_start3A_22 : memref<128x768xf32, #tpu.memory_space<hbm>>) target(%arg6 : memref<128x768xf32, #tpu.memory_space<vmem>>) target_semaphore(%run_scoped3A : memref<!tpu.dma_semaphore, #tpu.memory_space<semaphore_mem>>)
      %dma_wait3A_23 = arith.constant 0 : i32
      %dma_wait3A_24 = tpu.memref_slice %arg2[%add3A_4, %dma_wait3A_23] : memref<8192x768xf32, #tpu.memory_space<hbm>> -> memref<128x768xf32, #tpu.memory_space<hbm>>
      %dma_wait3A_25 = arith.constant 0 : i32
      %dma_wait3A_26 = tpu.memref_slice %arg2[%add3A_4, %dma_wait3A_25] : memref<8192x768xf32, #tpu.memory_space<hbm>> -> memref<128x768xf32, #tpu.memory_space<hbm>>
      tpu.wait_dma2 semaphore(%run_scoped3A : memref<!tpu.dma_semaphore, #tpu.memory_space<semaphore_mem>>) src(%dma_wait3A_26 : memref<128x768xf32, #tpu.memory_space<hbm>>) dst(%arg6 : memref<128x768xf32, #tpu.memory_space<vmem>>)
      tpu.yield
    }) : () -> ()
    %dma_start3A = arith.constant 0 : i32
    %dma_start3A_5 = arith.constant 0 : i32
    %dma_start3A_6 = tpu.memref_slice %arg4[%dma_start3A, %dma_start3A_5] : memref<8192x768xf32, #tpu.memory_space<hbm>> -> memref<8192x768xf32, #tpu.memory_space<hbm>>
    tpu.enqueue_indirect_dma source(%arg6 : memref<128x768xf32, #tpu.memory_space<vmem>>) target(%dma_start3A_6 : memref<8192x768xf32, #tpu.memory_space<hbm>>) offsets(%arg5 : memref<128xi32, #tpu.memory_space<vmem>>) semaphore(%arg7 : memref<!tpu.dma_semaphore, #tpu.memory_space<semaphore_mem>>)
    %dma_wait3A = arith.constant 0 : i32
    %dma_wait3A_7 = arith.constant 0 : i32
    %dma_wait3A_8 = tpu.memref_slice %arg4[%dma_wait3A, %dma_wait3A_7] : memref<8192x768xf32, #tpu.memory_space<hbm>> -> memref<8192x768xf32, #tpu.memory_space<hbm>>
    tpu.wait_indirect_dma semaphore(%arg7 : memref<!tpu.dma_semaphore, #tpu.memory_space<semaphore_mem>>) src(%arg6 : memref<128x768xf32, #tpu.memory_space<vmem>>) dst(%dma_wait3A_8 : memref<8192x768xf32, #tpu.memory_space<hbm>>)
    %mul3A_9 = arith.constant 256 : i32
    %mul3A_10 = arith.muli %add3A, %mul3A_9 : i32
    %add3A_11 = arith.constant 128 : i32
    %add3A_12 = arith.addi %mul3A_10, %add3A_11 : i32
    "tpu.region"() ({
      %run_scoped3A = tpu.sem_alloc : memref<!tpu.dma_semaphore, #tpu.memory_space<semaphore_mem>>
      %dma_start3A_19 = tpu.memref_slice %arg3[%add3A_12] : memref<8192xi32, #tpu.memory_space<hbm>> -> memref<128xi32, #tpu.memory_space<hbm>>
      %dma_start3A_20 = tpu.memref_slice %arg3[%add3A_12] : memref<8192xi32, #tpu.memory_space<hbm>> -> memref<128xi32, #tpu.memory_space<hbm>>
      tpu.enqueue_dma source(%dma_start3A_20 : memref<128xi32, #tpu.memory_space<hbm>>) target(%arg5 : memref<128xi32, #tpu.memory_space<vmem>>) target_semaphore(%run_scoped3A : memref<!tpu.dma_semaphore, #tpu.memory_space<semaphore_mem>>)
      %dma_wait3A_21 = tpu.memref_slice %arg3[%add3A_12] : memref<8192xi32, #tpu.memory_space<hbm>> -> memref<128xi32, #tpu.memory_space<hbm>>
      %dma_wait3A_22 = tpu.memref_slice %arg3[%add3A_12] : memref<8192xi32, #tpu.memory_space<hbm>> -> memref<128xi32, #tpu.memory_space<hbm>>
      tpu.wait_dma2 semaphore(%run_scoped3A : memref<!tpu.dma_semaphore, #tpu.memory_space<semaphore_mem>>) src(%dma_wait3A_22 : memref<128xi32, #tpu.memory_space<hbm>>) dst(%arg5 : memref<128xi32, #tpu.memory_space<vmem>>)
      tpu.yield
    }) : () -> ()
    "tpu.region"() ({
      %run_scoped3A = tpu.sem_alloc : memref<!tpu.dma_semaphore, #tpu.memory_space<semaphore_mem>>
      %dma_start3A_19 = arith.constant 0 : i32
      %dma_start3A_20 = tpu.memref_slice %arg2[%add3A_12, %dma_start3A_19] : memref<8192x768xf32, #tpu.memory_space<hbm>> -> memref<128x768xf32, #tpu.memory_space<hbm>>
      %dma_start3A_21 = arith.constant 0 : i32
      %dma_start3A_22 = tpu.memref_slice %arg2[%add3A_12, %dma_start3A_21] : memref<8192x768xf32, #tpu.memory_space<hbm>> -> memref<128x768xf32, #tpu.memory_space<hbm>>
      tpu.enqueue_dma source(%dma_start3A_22 : memref<128x768xf32, #tpu.memory_space<hbm>>) target(%arg6 : memref<128x768xf32, #tpu.memory_space<vmem>>) target_semaphore(%run_scoped3A : memref<!tpu.dma_semaphore, #tpu.memory_space<semaphore_mem>>)
      %dma_wait3A_23 = arith.constant 0 : i32
      %dma_wait3A_24 = tpu.memref_slice %arg2[%add3A_12, %dma_wait3A_23] : memref<8192x768xf32, #tpu.memory_space<hbm>> -> memref<128x768xf32, #tpu.memory_space<hbm>>
      %dma_wait3A_25 = arith.constant 0 : i32
      %dma_wait3A_26 = tpu.memref_slice %arg2[%add3A_12, %dma_wait3A_25] : memref<8192x768xf32, #tpu.memory_space<hbm>> -> memref<128x768xf32, #tpu.memory_space<hbm>>
      tpu.wait_dma2 semaphore(%run_scoped3A : memref<!tpu.dma_semaphore, #tpu.memory_space<semaphore_mem>>) src(%dma_wait3A_26 : memref<128x768xf32, #tpu.memory_space<hbm>>) dst(%arg6 : memref<128x768xf32, #tpu.memory_space<vmem>>)
      tpu.yield
    }) : () -> ()
    %dma_start3A_13 = arith.constant 0 : i32
    %dma_start3A_14 = arith.constant 0 : i32
    %dma_start3A_15 = tpu.memref_slice %arg4[%dma_start3A_13, %dma_start3A_14] : memref<8192x768xf32, #tpu.memory_space<hbm>> -> memref<8192x768xf32, #tpu.memory_space<hbm>>
    tpu.enqueue_indirect_dma source(%arg6 : memref<128x768xf32, #tpu.memory_space<vmem>>) target(%dma_start3A_15 : memref<8192x768xf32, #tpu.memory_space<hbm>>) offsets(%arg5 : memref<128xi32, #tpu.memory_space<vmem>>) semaphore(%arg7 : memref<!tpu.dma_semaphore, #tpu.memory_space<semaphore_mem>>)
    %dma_wait3A_16 = arith.constant 0 : i32
    %dma_wait3A_17 = arith.constant 0 : i32
    %dma_wait3A_18 = tpu.memref_slice %arg4[%dma_wait3A_16, %dma_wait3A_17] : memref<8192x768xf32, #tpu.memory_space<hbm>> -> memref<8192x768xf32, #tpu.memory_space<hbm>>
    tpu.wait_indirect_dma semaphore(%arg7 : memref<!tpu.dma_semaphore, #tpu.memory_space<semaphore_mem>>) src(%arg6 : memref<128x768xf32, #tpu.memory_space<vmem>>) dst(%dma_wait3A_18 : memref<8192x768xf32, #tpu.memory_space<hbm>>)
    return
  }
}

module attributes {stable_mosaic.version = 14 : i64} {
  func.func @_routing_body(%arg0: memref<64x128xi32, #tpu.memory_space<vmem>>, %arg1: memref<64x128xi32, #tpu.memory_space<vmem>>, %arg2: memref<64x128xi32, #tpu.memory_space<vmem>>) attributes {dimension_semantics = [], scalar_prefetch = 0 : i64, scratch_operands = 0 : i64, tpu.core_type = #tpu.core_type<tc>} {
    %get3A = arith.constant 0 : index
    %get3A_0 = arith.constant 0 : index
    %get3A_1 = vector.load %arg0[%get3A, %get3A_0] : memref<64x128xi32, #tpu.memory_space<vmem>>, vector<64x128xi32>
    %iota3A = tpu.iota {dimensions = array<i32: 0>} : vector<128x128xi32>
    %iota3A_2 = tpu.iota {dimensions = array<i32: 1>} : vector<128x128xi32>
    %le3A = arith.cmpi sle, %iota3A, %iota3A_2 : vector<128x128xi32>
    %convert_element_type3A = arith.extui %le3A : vector<128x128xi1> to vector<128x128xi32>
    %convert_element_type3A_3 = arith.sitofp %convert_element_type3A : vector<128x128xi32> to vector<128x128xf32>
    %iota3A_4 = tpu.iota {dimensions = array<i32: 0>} : vector<64x64xi32>
    %iota3A_5 = tpu.iota {dimensions = array<i32: 1>} : vector<64x64xi32>
    %le3A_6 = arith.cmpi sle, %iota3A_5, %iota3A_4 : vector<64x64xi32>
    %convert_element_type3A_7 = arith.extui %le3A_6 : vector<64x64xi1> to vector<64x64xi32>
    %convert_element_type3A_8 = arith.sitofp %convert_element_type3A_7 : vector<64x64xi32> to vector<64x64xf32>
    %broadcast_in_dim3A = arith.constant 0.000000e+00 : f32
    %broadcast_in_dim3A_9 = vector.broadcast %broadcast_in_dim3A : f32 to vector<64x128xf32>
    %eq3A = arith.constant 0 : i32
    %eq3A_10 = vector.broadcast %eq3A : i32 to vector<64x128xi32>
    %eq3A_11 = arith.cmpi eq, %get3A_1, %eq3A_10 : vector<64x128xi32>
    %convert_element_type3A_12 = arith.extui %eq3A_11 : vector<64x128xi1> to vector<64x128xi32>
    %convert_element_type3A_13 = arith.sitofp %convert_element_type3A_12 : vector<64x128xi32> to vector<64x128xf32>
    %dot_general3A = arith.constant dense<0.000000e+00> : vector<64x128xf32>
    %dot_general3A_14 = tpu.matmul %convert_element_type3A_13, %convert_element_type3A_3, %dot_general3A {dimension_numbers = #tpu.dot_dimension_numbers<[1], [0], [0], [1], [0, 0, 1, 1], [], []>, transpose_lhs_hint = false} : vector<64x128xf32>, vector<128x128xf32>, vector<64x128xf32> -> vector<64x128xf32>
    %slice3A = vector.extract_strided_slice %dot_general3A_14 {offsets = [0, 127], sizes = [64, 1], strides = [1, 1]} : vector<64x128xf32> to vector<64x1xf32>
    %dot_general3A_15 = arith.constant dense<0.000000e+00> : vector<64x1xf32>
    %dot_general3A_16 = tpu.matmul %convert_element_type3A_8, %slice3A, %dot_general3A_15 {dimension_numbers = #tpu.dot_dimension_numbers<[1], [0], [0], [1], [0, 0, 1, 1], [], []>, transpose_lhs_hint = false} : vector<64x64xf32>, vector<64x1xf32>, vector<64x1xf32> -> vector<64x1xf32>
    %sub3A = arith.subf %dot_general3A_14, %convert_element_type3A_13 : vector<64x128xf32>
    %sub3A_17 = arith.subf %dot_general3A_16, %slice3A : vector<64x1xf32>
    %add3A = vector.broadcast %sub3A_17 : vector<64x1xf32> to vector<64x128xf32>
    %add3A_18 = arith.addf %sub3A, %add3A : vector<64x128xf32>
    %reduce_sum3A = vector.shape_cast %convert_element_type3A_13 : vector<64x128xf32> to vector<1x64x128xf32>
    %reduce_sum3A_19 = arith.constant dense<0.000000e+00> : vector<1xf32>
    %reduce_sum3A_20 = vector.multi_reduction <add>, %reduce_sum3A, %reduce_sum3A_19 [1, 2] : vector<1x64x128xf32> to vector<1xf32>
    %reduce_sum3A_21 = vector.shape_cast %reduce_sum3A_20 : vector<1xf32> to vector<1x1x1xf32>
    %reduce_sum3A_22 = vector.extract %reduce_sum3A_21[0, 0, 0] : f32 from vector<1x1x1xf32>
    %add3A_23 = arith.constant 0.000000e+00 : f32
    %add3A_24 = vector.broadcast %add3A_23 : f32 to vector<64x128xf32>
    %add3A_25 = arith.addf %add3A_24, %add3A_18 : vector<64x128xf32>
    %mul3A = arith.mulf %convert_element_type3A_13, %add3A_25 : vector<64x128xf32>
    %add3A_26 = arith.addf %broadcast_in_dim3A_9, %mul3A : vector<64x128xf32>
    %add3A_27 = arith.constant 0.000000e+00 : f32
    %add3A_28 = arith.addf %add3A_27, %reduce_sum3A_22 : f32
    %eq3A_29 = arith.constant 1 : i32
    %eq3A_30 = vector.broadcast %eq3A_29 : i32 to vector<64x128xi32>
    %eq3A_31 = arith.cmpi eq, %get3A_1, %eq3A_30 : vector<64x128xi32>
    %convert_element_type3A_32 = arith.extui %eq3A_31 : vector<64x128xi1> to vector<64x128xi32>
    %convert_element_type3A_33 = arith.sitofp %convert_element_type3A_32 : vector<64x128xi32> to vector<64x128xf32>
    %dot_general3A_34 = arith.constant dense<0.000000e+00> : vector<64x128xf32>
    %dot_general3A_35 = tpu.matmul %convert_element_type3A_33, %convert_element_type3A_3, %dot_general3A_34 {dimension_numbers = #tpu.dot_dimension_numbers<[1], [0], [0], [1], [0, 0, 1, 1], [], []>, transpose_lhs_hint = false} : vector<64x128xf32>, vector<128x128xf32>, vector<64x128xf32> -> vector<64x128xf32>
    %slice3A_36 = vector.extract_strided_slice %dot_general3A_35 {offsets = [0, 127], sizes = [64, 1], strides = [1, 1]} : vector<64x128xf32> to vector<64x1xf32>
    %dot_general3A_37 = arith.constant dense<0.000000e+00> : vector<64x1xf32>
    %dot_general3A_38 = tpu.matmul %convert_element_type3A_8, %slice3A_36, %dot_general3A_37 {dimension_numbers = #tpu.dot_dimension_numbers<[1], [0], [0], [1], [0, 0, 1, 1], [], []>, transpose_lhs_hint = false} : vector<64x64xf32>, vector<64x1xf32>, vector<64x1xf32> -> vector<64x1xf32>
    %sub3A_39 = arith.subf %dot_general3A_35, %convert_element_type3A_33 : vector<64x128xf32>
    %sub3A_40 = arith.subf %dot_general3A_38, %slice3A_36 : vector<64x1xf32>
    %add3A_41 = vector.broadcast %sub3A_40 : vector<64x1xf32> to vector<64x128xf32>
    %add3A_42 = arith.addf %sub3A_39, %add3A_41 : vector<64x128xf32>
    %reduce_sum3A_43 = vector.shape_cast %convert_element_type3A_33 : vector<64x128xf32> to vector<1x64x128xf32>
    %reduce_sum3A_44 = arith.constant dense<0.000000e+00> : vector<1xf32>
    %reduce_sum3A_45 = vector.multi_reduction <add>, %reduce_sum3A_43, %reduce_sum3A_44 [1, 2] : vector<1x64x128xf32> to vector<1xf32>
    %reduce_sum3A_46 = vector.shape_cast %reduce_sum3A_45 : vector<1xf32> to vector<1x1x1xf32>
    %reduce_sum3A_47 = vector.extract %reduce_sum3A_46[0, 0, 0] : f32 from vector<1x1x1xf32>
    %add3A_48 = vector.broadcast %add3A_28 : f32 to vector<64x128xf32>
    %add3A_49 = arith.addf %add3A_48, %add3A_42 : vector<64x128xf32>
    %mul3A_50 = arith.mulf %convert_element_type3A_33, %add3A_49 : vector<64x128xf32>
    %add3A_51 = arith.addf %add3A_26, %mul3A_50 : vector<64x128xf32>
    %add3A_52 = arith.addf %add3A_28, %reduce_sum3A_47 : f32
    %eq3A_53 = arith.constant 2 : i32
    %eq3A_54 = vector.broadcast %eq3A_53 : i32 to vector<64x128xi32>
    %eq3A_55 = arith.cmpi eq, %get3A_1, %eq3A_54 : vector<64x128xi32>
    %convert_element_type3A_56 = arith.extui %eq3A_55 : vector<64x128xi1> to vector<64x128xi32>
    %convert_element_type3A_57 = arith.sitofp %convert_element_type3A_56 : vector<64x128xi32> to vector<64x128xf32>
    %dot_general3A_58 = arith.constant dense<0.000000e+00> : vector<64x128xf32>
    %dot_general3A_59 = tpu.matmul %convert_element_type3A_57, %convert_element_type3A_3, %dot_general3A_58 {dimension_numbers = #tpu.dot_dimension_numbers<[1], [0], [0], [1], [0, 0, 1, 1], [], []>, transpose_lhs_hint = false} : vector<64x128xf32>, vector<128x128xf32>, vector<64x128xf32> -> vector<64x128xf32>
    %slice3A_60 = vector.extract_strided_slice %dot_general3A_59 {offsets = [0, 127], sizes = [64, 1], strides = [1, 1]} : vector<64x128xf32> to vector<64x1xf32>
    %dot_general3A_61 = arith.constant dense<0.000000e+00> : vector<64x1xf32>
    %dot_general3A_62 = tpu.matmul %convert_element_type3A_8, %slice3A_60, %dot_general3A_61 {dimension_numbers = #tpu.dot_dimension_numbers<[1], [0], [0], [1], [0, 0, 1, 1], [], []>, transpose_lhs_hint = false} : vector<64x64xf32>, vector<64x1xf32>, vector<64x1xf32> -> vector<64x1xf32>
    %sub3A_63 = arith.subf %dot_general3A_59, %convert_element_type3A_57 : vector<64x128xf32>
    %sub3A_64 = arith.subf %dot_general3A_62, %slice3A_60 : vector<64x1xf32>
    %add3A_65 = vector.broadcast %sub3A_64 : vector<64x1xf32> to vector<64x128xf32>
    %add3A_66 = arith.addf %sub3A_63, %add3A_65 : vector<64x128xf32>
    %reduce_sum3A_67 = vector.shape_cast %convert_element_type3A_57 : vector<64x128xf32> to vector<1x64x128xf32>
    %reduce_sum3A_68 = arith.constant dense<0.000000e+00> : vector<1xf32>
    %reduce_sum3A_69 = vector.multi_reduction <add>, %reduce_sum3A_67, %reduce_sum3A_68 [1, 2] : vector<1x64x128xf32> to vector<1xf32>
    %reduce_sum3A_70 = vector.shape_cast %reduce_sum3A_69 : vector<1xf32> to vector<1x1x1xf32>
    %reduce_sum3A_71 = vector.extract %reduce_sum3A_70[0, 0, 0] : f32 from vector<1x1x1xf32>
    %add3A_72 = vector.broadcast %add3A_52 : f32 to vector<64x128xf32>
    %add3A_73 = arith.addf %add3A_72, %add3A_66 : vector<64x128xf32>
    %mul3A_74 = arith.mulf %convert_element_type3A_57, %add3A_73 : vector<64x128xf32>
    %add3A_75 = arith.addf %add3A_51, %mul3A_74 : vector<64x128xf32>
    %add3A_76 = arith.addf %add3A_52, %reduce_sum3A_71 : f32
    %eq3A_77 = arith.constant 3 : i32
    %eq3A_78 = vector.broadcast %eq3A_77 : i32 to vector<64x128xi32>
    %eq3A_79 = arith.cmpi eq, %get3A_1, %eq3A_78 : vector<64x128xi32>
    %convert_element_type3A_80 = arith.extui %eq3A_79 : vector<64x128xi1> to vector<64x128xi32>
    %convert_element_type3A_81 = arith.sitofp %convert_element_type3A_80 : vector<64x128xi32> to vector<64x128xf32>
    %dot_general3A_82 = arith.constant dense<0.000000e+00> : vector<64x128xf32>
    %dot_general3A_83 = tpu.matmul %convert_element_type3A_81, %convert_element_type3A_3, %dot_general3A_82 {dimension_numbers = #tpu.dot_dimension_numbers<[1], [0], [0], [1], [0, 0, 1, 1], [], []>, transpose_lhs_hint = false} : vector<64x128xf32>, vector<128x128xf32>, vector<64x128xf32> -> vector<64x128xf32>
    %slice3A_84 = vector.extract_strided_slice %dot_general3A_83 {offsets = [0, 127], sizes = [64, 1], strides = [1, 1]} : vector<64x128xf32> to vector<64x1xf32>
    %dot_general3A_85 = arith.constant dense<0.000000e+00> : vector<64x1xf32>
    %dot_general3A_86 = tpu.matmul %convert_element_type3A_8, %slice3A_84, %dot_general3A_85 {dimension_numbers = #tpu.dot_dimension_numbers<[1], [0], [0], [1], [0, 0, 1, 1], [], []>, transpose_lhs_hint = false} : vector<64x64xf32>, vector<64x1xf32>, vector<64x1xf32> -> vector<64x1xf32>
    %sub3A_87 = arith.subf %dot_general3A_83, %convert_element_type3A_81 : vector<64x128xf32>
    %sub3A_88 = arith.subf %dot_general3A_86, %slice3A_84 : vector<64x1xf32>
    %add3A_89 = vector.broadcast %sub3A_88 : vector<64x1xf32> to vector<64x128xf32>
    %add3A_90 = arith.addf %sub3A_87, %add3A_89 : vector<64x128xf32>
    %reduce_sum3A_91 = vector.shape_cast %convert_element_type3A_81 : vector<64x128xf32> to vector<1x64x128xf32>
    %reduce_sum3A_92 = arith.constant dense<0.000000e+00> : vector<1xf32>
    %reduce_sum3A_93 = vector.multi_reduction <add>, %reduce_sum3A_91, %reduce_sum3A_92 [1, 2] : vector<1x64x128xf32> to vector<1xf32>
    %reduce_sum3A_94 = vector.shape_cast %reduce_sum3A_93 : vector<1xf32> to vector<1x1x1xf32>
    %reduce_sum3A_95 = vector.extract %reduce_sum3A_94[0, 0, 0] : f32 from vector<1x1x1xf32>
    %add3A_96 = vector.broadcast %add3A_76 : f32 to vector<64x128xf32>
    %add3A_97 = arith.addf %add3A_96, %add3A_90 : vector<64x128xf32>
    %mul3A_98 = arith.mulf %convert_element_type3A_81, %add3A_97 : vector<64x128xf32>
    %add3A_99 = arith.addf %add3A_75, %mul3A_98 : vector<64x128xf32>
    %add3A_100 = arith.addf %add3A_76, %reduce_sum3A_95 : f32
    %convert_element_type3A_101 = arith.fptosi %add3A_99 : vector<64x128xf32> to vector<64x128xi32>
    %swap3A = arith.constant 0 : index
    %swap3A_102 = arith.constant 0 : index
    %swap3A_103 = vector.load %arg1[%swap3A, %swap3A_102] : memref<64x128xi32, #tpu.memory_space<vmem>>, vector<64x128xi32>
    tpu.vector_store %arg1[%swap3A, %swap3A_102], %convert_element_type3A_101 {strides = array<i32>} : memref<64x128xi32, #tpu.memory_space<vmem>>, vector<64x128xi32>,
    %iota3A_104 = tpu.iota {dimensions = array<i32: 0>} : vector<64x128xi32>
    %mul3A_105 = arith.constant 128 : i32
    %mul3A_106 = vector.broadcast %mul3A_105 : i32 to vector<64x128xi32>
    %mul3A_107 = arith.muli %iota3A_104, %mul3A_106 : vector<64x128xi32>
    %iota3A_108 = tpu.iota {dimensions = array<i32: 1>} : vector<64x128xi32>
    %add3A_109 = arith.addi %mul3A_107, %iota3A_108 : vector<64x128xi32>
    %convert_element_type3A_110 = arith.sitofp %add3A_109 : vector<64x128xi32> to vector<64x128xf32>
    %broadcast_in_dim3A_111 = arith.constant 0 : i32
    %broadcast_in_dim3A_112 = vector.broadcast %broadcast_in_dim3A_111 : i32 to vector<64x128xi32>
    %ge3A = vector.broadcast %add3A_28 : f32 to vector<64x128xf32>
    %ge3A_113 = arith.cmpf oge, %convert_element_type3A_110, %ge3A : vector<64x128xf32>
    %convert_element_type3A_114 = arith.extui %ge3A_113 : vector<64x128xi1> to vector<64x128xi32>
    %add3A_115 = arith.addi %broadcast_in_dim3A_112, %convert_element_type3A_114 : vector<64x128xi32>
    %ge3A_116 = vector.broadcast %add3A_52 : f32 to vector<64x128xf32>
    %ge3A_117 = arith.cmpf oge, %convert_element_type3A_110, %ge3A_116 : vector<64x128xf32>
    %convert_element_type3A_118 = arith.extui %ge3A_117 : vector<64x128xi1> to vector<64x128xi32>
    %add3A_119 = arith.addi %add3A_115, %convert_element_type3A_118 : vector<64x128xi32>
    %ge3A_120 = vector.broadcast %add3A_76 : f32 to vector<64x128xf32>
    %ge3A_121 = arith.cmpf oge, %convert_element_type3A_110, %ge3A_120 : vector<64x128xf32>
    %convert_element_type3A_122 = arith.extui %ge3A_121 : vector<64x128xi1> to vector<64x128xi32>
    %add3A_123 = arith.addi %add3A_119, %convert_element_type3A_122 : vector<64x128xi32>
    %ge3A_124 = vector.broadcast %add3A_100 : f32 to vector<64x128xf32>
    %ge3A_125 = arith.cmpf oge, %convert_element_type3A_110, %ge3A_124 : vector<64x128xf32>
    %convert_element_type3A_126 = arith.extui %ge3A_125 : vector<64x128xi1> to vector<64x128xi32>
    %add3A_127 = arith.addi %add3A_123, %convert_element_type3A_126 : vector<64x128xi32>
    %swap3A_128 = arith.constant 0 : index
    %swap3A_129 = arith.constant 0 : index
    %swap3A_130 = vector.load %arg2[%swap3A_128, %swap3A_129] : memref<64x128xi32, #tpu.memory_space<vmem>>, vector<64x128xi32>
    tpu.vector_store %arg2[%swap3A_128, %swap3A_129], %add3A_127 {strides = array<i32>} : memref<64x128xi32, #tpu.memory_space<vmem>>, vector<64x128xi32>,
    return
  }
}

module attributes {stable_mosaic.version = 14 : i64} {
  func.func @_ffn_body(%arg0: i32, %arg1: memref<512x768xf32, #tpu.memory_space<vmem>>, %arg2: memref<512x1xi32, #tpu.memory_space<vmem>>, %arg3: memref<3072x768xf32, #tpu.memory_space<vmem>>, %arg4: memref<1x3072xf32, #tpu.memory_space<vmem>>, %arg5: memref<768x3072xf32, #tpu.memory_space<vmem>>, %arg6: memref<1x768xf32, #tpu.memory_space<vmem>>, %arg7: memref<512x768xf32, #tpu.memory_space<vmem>>, %arg8: memref<768x3072xbf16, #tpu.memory_space<vmem>>, %arg9: memref<3072x768xbf16, #tpu.memory_space<vmem>>) attributes {dimension_semantics = [#tpu.dimension_semantics<arbitrary>], iteration_bounds = array<i64: 16>, scalar_prefetch = 0 : i64, scratch_operands = 2 : i64, tpu.core_type = #tpu.core_type<tc>, window_params = [{transform_indices = @transform_0, window_bounds = array<i64: 512, 768>}, {transform_indices = @transform_1, window_bounds = array<i64: 512, 1>}, {pipeline_mode = #tpu.pipeline_mode<synchronous>, transform_indices = @transform_2, window_bounds = array<i64: 3072, 768>}, {pipeline_mode = #tpu.pipeline_mode<synchronous>, transform_indices = @transform_3, window_bounds = array<i64: 1, 3072>}, {pipeline_mode = #tpu.pipeline_mode<synchronous>, transform_indices = @transform_4, window_bounds = array<i64: 768, 3072>}, {pipeline_mode = #tpu.pipeline_mode<synchronous>, transform_indices = @transform_5, window_bounds = array<i64: 1, 768>}, {transform_indices = @transform_6, window_bounds = array<i64: 512, 768>}]} {
    %eq3A = arith.constant 0 : i32
    %eq3A_0 = arith.cmpi eq, %arg0, %eq3A : i32
    %convert_element_type3A = arith.extui %eq3A_0 : i1 to i32
    %cond3A = arith.constant 0 : i32
    %cond3A_1 = arith.cmpi ne, %convert_element_type3A, %cond3A : i32
    scf.if %cond3A_1 {
      %get3A_48 = arith.constant 0 : index
      %get3A_49 = arith.constant 0 : index
      %get3A_50 = vector.load %arg3[%get3A_48, %get3A_49] : memref<3072x768xf32, #tpu.memory_space<vmem>>, vector<3072x768xf32>
      %convert_element_type3A_51 = arith.truncf %get3A_50 : vector<3072x768xf32> to vector<3072x768xbf16>
      %transpose3A = tpu.transpose %convert_element_type3A_51, [1, 0] : vector<3072x768xbf16> -> vector<768x3072xbf16>
      %swap3A = arith.constant 0 : index
      %swap3A_52 = arith.constant 0 : index
      %swap3A_53 = vector.load %arg8[%swap3A, %swap3A_52] : memref<768x3072xbf16, #tpu.memory_space<vmem>>, vector<768x3072xbf16>
      tpu.vector_store %arg8[%swap3A, %swap3A_52], %transpose3A {strides = array<i32>} : memref<768x3072xbf16, #tpu.memory_space<vmem>>, vector<768x3072xbf16>,
      %get3A_54 = arith.constant 0 : index
      %get3A_55 = arith.constant 0 : index
      %get3A_56 = vector.load %arg5[%get3A_54, %get3A_55] : memref<768x3072xf32, #tpu.memory_space<vmem>>, vector<768x3072xf32>
      %convert_element_type3A_57 = arith.truncf %get3A_56 : vector<768x3072xf32> to vector<768x3072xbf16>
      %transpose3A_58 = tpu.transpose %convert_element_type3A_57, [1, 0] : vector<768x3072xbf16> -> vector<3072x768xbf16>
      %swap3A_59 = arith.constant 0 : index
      %swap3A_60 = arith.constant 0 : index
      %swap3A_61 = vector.load %arg9[%swap3A_59, %swap3A_60] : memref<3072x768xbf16, #tpu.memory_space<vmem>>, vector<3072x768xbf16>
      tpu.vector_store %arg9[%swap3A_59, %swap3A_60], %transpose3A_58 {strides = array<i32>} : memref<3072x768xbf16, #tpu.memory_space<vmem>>, vector<3072x768xbf16>,
    } else {
    }
    %get3A = arith.constant 0 : index
    %get3A_2 = arith.constant 0 : index
    %get3A_3 = vector.load %arg2[%get3A, %get3A_2] : memref<512x1xi32, #tpu.memory_space<vmem>>, vector<512x1xi32>
    %get3A_4 = arith.constant 511 : index
    %get3A_5 = arith.constant 0 : index
    %get3A_6 = vector.load %arg2[%get3A_4, %get3A_5] : memref<512x1xi32, #tpu.memory_space<vmem>>, vector<1x1xi32>
    %get3A_7 = vector.extract %get3A_6[0, 0] : i32 from vector<1x1xi32>
    %eq3A_8 = arith.constant 0 : i32
    %eq3A_9 = vector.broadcast %eq3A_8 : i32 to vector<512x1xi32>
    %eq3A_10 = arith.cmpi eq, %get3A_3, %eq3A_9 : vector<512x1xi32>
    %eq3A_11 = arith.constant 1 : i32
    %eq3A_12 = vector.broadcast %eq3A_11 : i32 to vector<512x1xi32>
    %eq3A_13 = arith.cmpi eq, %get3A_3, %eq3A_12 : vector<512x1xi32>
    %eq3A_14 = arith.constant 2 : i32
    %eq3A_15 = vector.broadcast %eq3A_14 : i32 to vector<512x1xi32>
    %eq3A_16 = arith.cmpi eq, %get3A_3, %eq3A_15 : vector<512x1xi32>
    %jit3A = arith.constant 384 : i32
    %jit3A_17 = arith.constant 768 : i32
    %broadcast_in_dim3A = vector.broadcast %jit3A : i32 to vector<512x1xi32>
    %broadcast_in_dim3A_18 = vector.broadcast %jit3A_17 : i32 to vector<512x1xi32>
    %select_n3A = arith.select %eq3A_16, %broadcast_in_dim3A, %broadcast_in_dim3A_18 : vector<512x1xi1>, vector<512x1xi32>
    %jit3A_19 = arith.constant 192 : i32
    %broadcast_in_dim3A_20 = vector.broadcast %jit3A_19 : i32 to vector<512x1xi32>
    %select_n3A_21 = arith.select %eq3A_13, %broadcast_in_dim3A_20, %select_n3A : vector<512x1xi1>, vector<512x1xi32>
    %jit3A_22 = arith.constant 96 : i32
    %broadcast_in_dim3A_23 = vector.broadcast %jit3A_22 : i32 to vector<512x1xi32>
    %select_n3A_24 = arith.select %eq3A_10, %broadcast_in_dim3A_23, %select_n3A_21 : vector<512x1xi1>, vector<512x1xi32>
    %get3A_25 = arith.constant 0 : index
    %get3A_26 = arith.constant 0 : index
    %get3A_27 = vector.load %arg4[%get3A_25, %get3A_26] : memref<1x3072xf32, #tpu.memory_space<vmem>>, vector<1x3072xf32>
    %eq3A_28 = arith.constant 0 : i32
    %eq3A_29 = arith.cmpi eq, %get3A_7, %eq3A_28 : i32
    %convert_element_type3A_30 = arith.extui %eq3A_29 : i1 to i32
    %cond3A_31 = arith.constant 0 : i32
    %cond3A_32 = arith.cmpi ne, %convert_element_type3A_30, %cond3A_31 : i32
    scf.if %cond3A_32 {
      %iota3A = tpu.iota {dimensions = array<i32: 1>} : vector<512x128xi32>
      %lt3A = vector.broadcast %select_n3A_24 : vector<512x1xi32> to vector<512x128xi32>
      %lt3A_48 = arith.cmpi slt, %iota3A, %lt3A : vector<512x128xi32>
      %get3A_49 = arith.constant 0 : index
      %get3A_50 = arith.constant 0 : index
      %get3A_51 = vector.load %arg1[%get3A_49, %get3A_50] : memref<512x768xf32, #tpu.memory_space<vmem>>, vector<512x128xf32>
      %jit3A_52 = arith.constant 0.000000e+00 : f32
      %broadcast_in_dim3A_53 = vector.broadcast %jit3A_52 : f32 to vector<512x128xf32>
      %select_n3A_54 = arith.select %lt3A_48, %get3A_51, %broadcast_in_dim3A_53 : vector<512x128xi1>, vector<512x128xf32>
      %convert_element_type3A_55 = arith.truncf %select_n3A_54 : vector<512x128xf32> to vector<512x128xbf16>
      %get3A_56 = arith.constant 0 : index
      %get3A_57 = arith.constant 0 : index
      %get3A_58 = vector.load %arg8[%get3A_56, %get3A_57] : memref<768x3072xbf16, #tpu.memory_space<vmem>>, vector<128x3072xbf16>
      %dot_general3A = arith.constant dense<0.000000e+00> : vector<512x3072xf32>
      %dot_general3A_59 = tpu.matmul %convert_element_type3A_55, %get3A_58, %dot_general3A {dimension_numbers = #tpu.dot_dimension_numbers<[1], [0], [0], [1], [0, 0, 1, 1], [], []>, transpose_lhs_hint = false} : vector<512x128xbf16>, vector<128x3072xbf16>, vector<512x3072xf32> -> vector<512x3072xf32>
      %add3A = vector.broadcast %get3A_27 : vector<1x3072xf32> to vector<512x3072xf32>
      %add3A_60 = arith.addf %dot_general3A_59, %add3A : vector<512x3072xf32>
      %mul3A = arith.constant 5.000000e-01 : f32
      %mul3A_61 = vector.broadcast %mul3A : f32 to vector<512x3072xf32>
      %mul3A_62 = arith.mulf %mul3A_61, %add3A_60 : vector<512x3072xf32>
      %mul3A_63 = arith.constant 0.707106769 : f32
      %mul3A_64 = vector.broadcast %mul3A_63 : f32 to vector<512x3072xf32>
      %mul3A_65 = arith.mulf %add3A_60, %mul3A_64 : vector<512x3072xf32>
      %erf3A = math.erf %mul3A_65 : vector<512x3072xf32>
      %add3A_66 = arith.constant 1.000000e+00 : f32
      %add3A_67 = vector.broadcast %add3A_66 : f32 to vector<512x3072xf32>
      %add3A_68 = arith.addf %add3A_67, %erf3A : vector<512x3072xf32>
      %mul3A_69 = arith.mulf %mul3A_62, %add3A_68 : vector<512x3072xf32>
      %convert_element_type3A_70 = arith.truncf %mul3A_69 : vector<512x3072xf32> to vector<512x3072xbf16>
      %get3A_71 = arith.constant 0 : index
      %get3A_72 = arith.constant 0 : index
      %get3A_73 = vector.load %arg9[%get3A_71, %get3A_72] : memref<3072x768xbf16, #tpu.memory_space<vmem>>, vector<3072x128xbf16>
      %dot_general3A_74 = arith.constant dense<0.000000e+00> : vector<512x128xf32>
      %dot_general3A_75 = tpu.matmul %convert_element_type3A_70, %get3A_73, %dot_general3A_74 {dimension_numbers = #tpu.dot_dimension_numbers<[1], [0], [0], [1], [0, 0, 1, 1], [], []>, transpose_lhs_hint = false} : vector<512x3072xbf16>, vector<3072x128xbf16>, vector<512x128xf32> -> vector<512x128xf32>
      %get3A_76 = arith.constant 0 : index
      %get3A_77 = arith.constant 0 : index
      %get3A_78 = vector.load %arg6[%get3A_76, %get3A_77] : memref<1x768xf32, #tpu.memory_space<vmem>>, vector<1x128xf32>
      %add3A_79 = vector.broadcast %get3A_78 : vector<1x128xf32> to vector<512x128xf32>
      %add3A_80 = arith.addf %dot_general3A_75, %add3A_79 : vector<512x128xf32>
      %jit3A_81 = arith.constant 0.000000e+00 : f32
      %broadcast_in_dim3A_82 = vector.broadcast %jit3A_81 : f32 to vector<512x128xf32>
      %select_n3A_83 = arith.select %lt3A_48, %add3A_80, %broadcast_in_dim3A_82 : vector<512x128xi1>, vector<512x128xf32>
      %swap3A = arith.constant 0 : index
      %swap3A_84 = arith.constant 0 : index
      %swap3A_85 = vector.load %arg7[%swap3A, %swap3A_84] : memref<512x768xf32, #tpu.memory_space<vmem>>, vector<512x128xf32>
      tpu.vector_store %arg7[%swap3A, %swap3A_84], %select_n3A_83 {strides = array<i32>} : memref<512x768xf32, #tpu.memory_space<vmem>>, vector<512x128xf32>,
      %broadcast_in_dim3A_86 = arith.constant 0.000000e+00 : f32
      %broadcast_in_dim3A_87 = vector.broadcast %broadcast_in_dim3A_86 : f32 to vector<512x640xf32>
      %swap3A_88 = arith.constant 0 : index
      %swap3A_89 = arith.constant 128 : index
      %swap3A_90 = vector.load %arg7[%swap3A_88, %swap3A_89] : memref<512x768xf32, #tpu.memory_space<vmem>>, vector<512x640xf32>
      tpu.vector_store %arg7[%swap3A_88, %swap3A_89], %broadcast_in_dim3A_87 {strides = array<i32>} : memref<512x768xf32, #tpu.memory_space<vmem>>, vector<512x640xf32>,
    } else {
    }
    %eq3A_33 = arith.constant 1 : i32
    %eq3A_34 = arith.cmpi eq, %get3A_7, %eq3A_33 : i32
    %convert_element_type3A_35 = arith.extui %eq3A_34 : i1 to i32
    %cond3A_36 = arith.constant 0 : i32
    %cond3A_37 = arith.cmpi ne, %convert_element_type3A_35, %cond3A_36 : i32
    scf.if %cond3A_37 {
      %iota3A = tpu.iota {dimensions = array<i32: 1>} : vector<512x256xi32>
      %lt3A = vector.broadcast %select_n3A_24 : vector<512x1xi32> to vector<512x256xi32>
      %lt3A_48 = arith.cmpi slt, %iota3A, %lt3A : vector<512x256xi32>
      %get3A_49 = arith.constant 0 : index
      %get3A_50 = arith.constant 0 : index
      %get3A_51 = vector.load %arg1[%get3A_49, %get3A_50] : memref<512x768xf32, #tpu.memory_space<vmem>>, vector<512x256xf32>
      %jit3A_52 = arith.constant 0.000000e+00 : f32
      %broadcast_in_dim3A_53 = vector.broadcast %jit3A_52 : f32 to vector<512x256xf32>
      %select_n3A_54 = arith.select %lt3A_48, %get3A_51, %broadcast_in_dim3A_53 : vector<512x256xi1>, vector<512x256xf32>
      %convert_element_type3A_55 = arith.truncf %select_n3A_54 : vector<512x256xf32> to vector<512x256xbf16>
      %get3A_56 = arith.constant 0 : index
      %get3A_57 = arith.constant 0 : index
      %get3A_58 = vector.load %arg8[%get3A_56, %get3A_57] : memref<768x3072xbf16, #tpu.memory_space<vmem>>, vector<256x3072xbf16>
      %dot_general3A = arith.constant dense<0.000000e+00> : vector<512x3072xf32>
      %dot_general3A_59 = tpu.matmul %convert_element_type3A_55, %get3A_58, %dot_general3A {dimension_numbers = #tpu.dot_dimension_numbers<[1], [0], [0], [1], [0, 0, 1, 1], [], []>, transpose_lhs_hint = false} : vector<512x256xbf16>, vector<256x3072xbf16>, vector<512x3072xf32> -> vector<512x3072xf32>
      %add3A = vector.broadcast %get3A_27 : vector<1x3072xf32> to vector<512x3072xf32>
      %add3A_60 = arith.addf %dot_general3A_59, %add3A : vector<512x3072xf32>
      %mul3A = arith.constant 5.000000e-01 : f32
      %mul3A_61 = vector.broadcast %mul3A : f32 to vector<512x3072xf32>
      %mul3A_62 = arith.mulf %mul3A_61, %add3A_60 : vector<512x3072xf32>
      %mul3A_63 = arith.constant 0.707106769 : f32
      %mul3A_64 = vector.broadcast %mul3A_63 : f32 to vector<512x3072xf32>
      %mul3A_65 = arith.mulf %add3A_60, %mul3A_64 : vector<512x3072xf32>
      %erf3A = math.erf %mul3A_65 : vector<512x3072xf32>
      %add3A_66 = arith.constant 1.000000e+00 : f32
      %add3A_67 = vector.broadcast %add3A_66 : f32 to vector<512x3072xf32>
      %add3A_68 = arith.addf %add3A_67, %erf3A : vector<512x3072xf32>
      %mul3A_69 = arith.mulf %mul3A_62, %add3A_68 : vector<512x3072xf32>
      %convert_element_type3A_70 = arith.truncf %mul3A_69 : vector<512x3072xf32> to vector<512x3072xbf16>
      %get3A_71 = arith.constant 0 : index
      %get3A_72 = arith.constant 0 : index
      %get3A_73 = vector.load %arg9[%get3A_71, %get3A_72] : memref<3072x768xbf16, #tpu.memory_space<vmem>>, vector<3072x256xbf16>
      %dot_general3A_74 = arith.constant dense<0.000000e+00> : vector<512x256xf32>
      %dot_general3A_75 = tpu.matmul %convert_element_type3A_70, %get3A_73, %dot_general3A_74 {dimension_numbers = #tpu.dot_dimension_numbers<[1], [0], [0], [1], [0, 0, 1, 1], [], []>, transpose_lhs_hint = false} : vector<512x3072xbf16>, vector<3072x256xbf16>, vector<512x256xf32> -> vector<512x256xf32>
      %get3A_76 = arith.constant 0 : index
      %get3A_77 = arith.constant 0 : index
      %get3A_78 = vector.load %arg6[%get3A_76, %get3A_77] : memref<1x768xf32, #tpu.memory_space<vmem>>, vector<1x256xf32>
      %add3A_79 = vector.broadcast %get3A_78 : vector<1x256xf32> to vector<512x256xf32>
      %add3A_80 = arith.addf %dot_general3A_75, %add3A_79 : vector<512x256xf32>
      %jit3A_81 = arith.constant 0.000000e+00 : f32
      %broadcast_in_dim3A_82 = vector.broadcast %jit3A_81 : f32 to vector<512x256xf32>
      %select_n3A_83 = arith.select %lt3A_48, %add3A_80, %broadcast_in_dim3A_82 : vector<512x256xi1>, vector<512x256xf32>
      %swap3A = arith.constant 0 : index
      %swap3A_84 = arith.constant 0 : index
      %swap3A_85 = vector.load %arg7[%swap3A, %swap3A_84] : memref<512x768xf32, #tpu.memory_space<vmem>>, vector<512x256xf32>
      tpu.vector_store %arg7[%swap3A, %swap3A_84], %select_n3A_83 {strides = array<i32>} : memref<512x768xf32, #tpu.memory_space<vmem>>, vector<512x256xf32>,
      %broadcast_in_dim3A_86 = arith.constant 0.000000e+00 : f32
      %broadcast_in_dim3A_87 = vector.broadcast %broadcast_in_dim3A_86 : f32 to vector<512x512xf32>
      %swap3A_88 = arith.constant 0 : index
      %swap3A_89 = arith.constant 256 : index
      %swap3A_90 = vector.load %arg7[%swap3A_88, %swap3A_89] : memref<512x768xf32, #tpu.memory_space<vmem>>, vector<512x512xf32>
      tpu.vector_store %arg7[%swap3A_88, %swap3A_89], %broadcast_in_dim3A_87 {strides = array<i32>} : memref<512x768xf32, #tpu.memory_space<vmem>>, vector<512x512xf32>,
    } else {
    }
    %eq3A_38 = arith.constant 2 : i32
    %eq3A_39 = arith.cmpi eq, %get3A_7, %eq3A_38 : i32
    %convert_element_type3A_40 = arith.extui %eq3A_39 : i1 to i32
    %cond3A_41 = arith.constant 0 : i32
    %cond3A_42 = arith.cmpi ne, %convert_element_type3A_40, %cond3A_41 : i32
    scf.if %cond3A_42 {
      %iota3A = tpu.iota {dimensions = array<i32: 1>} : vector<512x384xi32>
      %lt3A = vector.broadcast %select_n3A_24 : vector<512x1xi32> to vector<512x384xi32>
      %lt3A_48 = arith.cmpi slt, %iota3A, %lt3A : vector<512x384xi32>
      %get3A_49 = arith.constant 0 : index
      %get3A_50 = arith.constant 0 : index
      %get3A_51 = vector.load %arg1[%get3A_49, %get3A_50] : memref<512x768xf32, #tpu.memory_space<vmem>>, vector<512x384xf32>
      %jit3A_52 = arith.constant 0.000000e+00 : f32
      %broadcast_in_dim3A_53 = vector.broadcast %jit3A_52 : f32 to vector<512x384xf32>
      %select_n3A_54 = arith.select %lt3A_48, %get3A_51, %broadcast_in_dim3A_53 : vector<512x384xi1>, vector<512x384xf32>
      %convert_element_type3A_55 = arith.truncf %select_n3A_54 : vector<512x384xf32> to vector<512x384xbf16>
      %get3A_56 = arith.constant 0 : index
      %get3A_57 = arith.constant 0 : index
      %get3A_58 = vector.load %arg8[%get3A_56, %get3A_57] : memref<768x3072xbf16, #tpu.memory_space<vmem>>, vector<384x3072xbf16>
      %dot_general3A = arith.constant dense<0.000000e+00> : vector<512x3072xf32>
      %dot_general3A_59 = tpu.matmul %convert_element_type3A_55, %get3A_58, %dot_general3A {dimension_numbers = #tpu.dot_dimension_numbers<[1], [0], [0], [1], [0, 0, 1, 1], [], []>, transpose_lhs_hint = false} : vector<512x384xbf16>, vector<384x3072xbf16>, vector<512x3072xf32> -> vector<512x3072xf32>
      %add3A = vector.broadcast %get3A_27 : vector<1x3072xf32> to vector<512x3072xf32>
      %add3A_60 = arith.addf %dot_general3A_59, %add3A : vector<512x3072xf32>
      %mul3A = arith.constant 5.000000e-01 : f32
      %mul3A_61 = vector.broadcast %mul3A : f32 to vector<512x3072xf32>
      %mul3A_62 = arith.mulf %mul3A_61, %add3A_60 : vector<512x3072xf32>
      %mul3A_63 = arith.constant 0.707106769 : f32
      %mul3A_64 = vector.broadcast %mul3A_63 : f32 to vector<512x3072xf32>
      %mul3A_65 = arith.mulf %add3A_60, %mul3A_64 : vector<512x3072xf32>
      %erf3A = math.erf %mul3A_65 : vector<512x3072xf32>
      %add3A_66 = arith.constant 1.000000e+00 : f32
      %add3A_67 = vector.broadcast %add3A_66 : f32 to vector<512x3072xf32>
      %add3A_68 = arith.addf %add3A_67, %erf3A : vector<512x3072xf32>
      %mul3A_69 = arith.mulf %mul3A_62, %add3A_68 : vector<512x3072xf32>
      %convert_element_type3A_70 = arith.truncf %mul3A_69 : vector<512x3072xf32> to vector<512x3072xbf16>
      %get3A_71 = arith.constant 0 : index
      %get3A_72 = arith.constant 0 : index
      %get3A_73 = vector.load %arg9[%get3A_71, %get3A_72] : memref<3072x768xbf16, #tpu.memory_space<vmem>>, vector<3072x384xbf16>
      %dot_general3A_74 = arith.constant dense<0.000000e+00> : vector<512x384xf32>
      %dot_general3A_75 = tpu.matmul %convert_element_type3A_70, %get3A_73, %dot_general3A_74 {dimension_numbers = #tpu.dot_dimension_numbers<[1], [0], [0], [1], [0, 0, 1, 1], [], []>, transpose_lhs_hint = false} : vector<512x3072xbf16>, vector<3072x384xbf16>, vector<512x384xf32> -> vector<512x384xf32>
      %get3A_76 = arith.constant 0 : index
      %get3A_77 = arith.constant 0 : index
      %get3A_78 = vector.load %arg6[%get3A_76, %get3A_77] : memref<1x768xf32, #tpu.memory_space<vmem>>, vector<1x384xf32>
      %add3A_79 = vector.broadcast %get3A_78 : vector<1x384xf32> to vector<512x384xf32>
      %add3A_80 = arith.addf %dot_general3A_75, %add3A_79 : vector<512x384xf32>
      %jit3A_81 = arith.constant 0.000000e+00 : f32
      %broadcast_in_dim3A_82 = vector.broadcast %jit3A_81 : f32 to vector<512x384xf32>
      %select_n3A_83 = arith.select %lt3A_48, %add3A_80, %broadcast_in_dim3A_82 : vector<512x384xi1>, vector<512x384xf32>
      %swap3A = arith.constant 0 : index
      %swap3A_84 = arith.constant 0 : index
      %swap3A_85 = vector.load %arg7[%swap3A, %swap3A_84] : memref<512x768xf32, #tpu.memory_space<vmem>>, vector<512x384xf32>
      tpu.vector_store %arg7[%swap3A, %swap3A_84], %select_n3A_83 {strides = array<i32>} : memref<512x768xf32, #tpu.memory_space<vmem>>, vector<512x384xf32>,
      %broadcast_in_dim3A_86 = arith.constant 0.000000e+00 : f32
      %broadcast_in_dim3A_87 = vector.broadcast %broadcast_in_dim3A_86 : f32 to vector<512x384xf32>
      %swap3A_88 = arith.constant 0 : index
      %swap3A_89 = arith.constant 384 : index
      %swap3A_90 = vector.load %arg7[%swap3A_88, %swap3A_89] : memref<512x768xf32, #tpu.memory_space<vmem>>, vector<512x384xf32>
      tpu.vector_store %arg7[%swap3A_88, %swap3A_89], %broadcast_in_dim3A_87 {strides = array<i32>} : memref<512x768xf32, #tpu.memory_space<vmem>>, vector<512x384xf32>,
    } else {
    }
    %eq3A_43 = arith.constant 3 : i32
    %eq3A_44 = arith.cmpi eq, %get3A_7, %eq3A_43 : i32
    %convert_element_type3A_45 = arith.extui %eq3A_44 : i1 to i32
    %cond3A_46 = arith.constant 0 : i32
    %cond3A_47 = arith.cmpi ne, %convert_element_type3A_45, %cond3A_46 : i32
    scf.if %cond3A_47 {
      %iota3A = tpu.iota {dimensions = array<i32: 1>} : vector<512x768xi32>
      %lt3A = vector.broadcast %select_n3A_24 : vector<512x1xi32> to vector<512x768xi32>
      %lt3A_48 = arith.cmpi slt, %iota3A, %lt3A : vector<512x768xi32>
      %get3A_49 = arith.constant 0 : index
      %get3A_50 = arith.constant 0 : index
      %get3A_51 = vector.load %arg1[%get3A_49, %get3A_50] : memref<512x768xf32, #tpu.memory_space<vmem>>, vector<512x768xf32>
      %jit3A_52 = arith.constant 0.000000e+00 : f32
      %broadcast_in_dim3A_53 = vector.broadcast %jit3A_52 : f32 to vector<512x768xf32>
      %select_n3A_54 = arith.select %lt3A_48, %get3A_51, %broadcast_in_dim3A_53 : vector<512x768xi1>, vector<512x768xf32>
      %convert_element_type3A_55 = arith.truncf %select_n3A_54 : vector<512x768xf32> to vector<512x768xbf16>
      %get3A_56 = arith.constant 0 : index
      %get3A_57 = arith.constant 0 : index
      %get3A_58 = vector.load %arg8[%get3A_56, %get3A_57] : memref<768x3072xbf16, #tpu.memory_space<vmem>>, vector<768x3072xbf16>
      %dot_general3A = arith.constant dense<0.000000e+00> : vector<512x3072xf32>
      %dot_general3A_59 = tpu.matmul %convert_element_type3A_55, %get3A_58, %dot_general3A {dimension_numbers = #tpu.dot_dimension_numbers<[1], [0], [0], [1], [0, 0, 1, 1], [], []>, transpose_lhs_hint = false} : vector<512x768xbf16>, vector<768x3072xbf16>, vector<512x3072xf32> -> vector<512x3072xf32>
      %add3A = vector.broadcast %get3A_27 : vector<1x3072xf32> to vector<512x3072xf32>
      %add3A_60 = arith.addf %dot_general3A_59, %add3A : vector<512x3072xf32>
      %mul3A = arith.constant 5.000000e-01 : f32
      %mul3A_61 = vector.broadcast %mul3A : f32 to vector<512x3072xf32>
      %mul3A_62 = arith.mulf %mul3A_61, %add3A_60 : vector<512x3072xf32>
      %mul3A_63 = arith.constant 0.707106769 : f32
      %mul3A_64 = vector.broadcast %mul3A_63 : f32 to vector<512x3072xf32>
      %mul3A_65 = arith.mulf %add3A_60, %mul3A_64 : vector<512x3072xf32>
      %erf3A = math.erf %mul3A_65 : vector<512x3072xf32>
      %add3A_66 = arith.constant 1.000000e+00 : f32
      %add3A_67 = vector.broadcast %add3A_66 : f32 to vector<512x3072xf32>
      %add3A_68 = arith.addf %add3A_67, %erf3A : vector<512x3072xf32>
      %mul3A_69 = arith.mulf %mul3A_62, %add3A_68 : vector<512x3072xf32>
      %convert_element_type3A_70 = arith.truncf %mul3A_69 : vector<512x3072xf32> to vector<512x3072xbf16>
      %get3A_71 = arith.constant 0 : index
      %get3A_72 = arith.constant 0 : index
      %get3A_73 = vector.load %arg9[%get3A_71, %get3A_72] : memref<3072x768xbf16, #tpu.memory_space<vmem>>, vector<3072x768xbf16>
      %dot_general3A_74 = arith.constant dense<0.000000e+00> : vector<512x768xf32>
      %dot_general3A_75 = tpu.matmul %convert_element_type3A_70, %get3A_73, %dot_general3A_74 {dimension_numbers = #tpu.dot_dimension_numbers<[1], [0], [0], [1], [0, 0, 1, 1], [], []>, transpose_lhs_hint = false} : vector<512x3072xbf16>, vector<3072x768xbf16>, vector<512x768xf32> -> vector<512x768xf32>
      %get3A_76 = arith.constant 0 : index
      %get3A_77 = arith.constant 0 : index
      %get3A_78 = vector.load %arg6[%get3A_76, %get3A_77] : memref<1x768xf32, #tpu.memory_space<vmem>>, vector<1x768xf32>
      %add3A_79 = vector.broadcast %get3A_78 : vector<1x768xf32> to vector<512x768xf32>
      %add3A_80 = arith.addf %dot_general3A_75, %add3A_79 : vector<512x768xf32>
      %jit3A_81 = arith.constant 0.000000e+00 : f32
      %broadcast_in_dim3A_82 = vector.broadcast %jit3A_81 : f32 to vector<512x768xf32>
      %select_n3A_83 = arith.select %lt3A_48, %add3A_80, %broadcast_in_dim3A_82 : vector<512x768xi1>, vector<512x768xf32>
      %swap3A = arith.constant 0 : index
      %swap3A_84 = arith.constant 0 : index
      %swap3A_85 = vector.load %arg7[%swap3A, %swap3A_84] : memref<512x768xf32, #tpu.memory_space<vmem>>, vector<512x768xf32>
      tpu.vector_store %arg7[%swap3A, %swap3A_84], %select_n3A_83 {strides = array<i32>} : memref<512x768xf32, #tpu.memory_space<vmem>>, vector<512x768xf32>,
    } else {
    }
    return
  }
  func.func @transform_0(%arg0: i32) -> (i32, i32) {
    %c0_i32 = arith.constant 0 : i32
    %c0_i32_0 = arith.constant 0 : i32
    return %arg0, %c0_i32 : i32, i32
  }
  func.func @transform_1(%arg0: i32) -> (i32, i32) {
    %c0_i32 = arith.constant 0 : i32
    %c0_i32_0 = arith.constant 0 : i32
    return %arg0, %c0_i32 : i32, i32
  }
  func.func @transform_2(%arg0: i32) -> (i32, i32) {
    %c0_i32 = arith.constant 0 : i32
    %c0_i32_0 = arith.constant 0 : i32
    %c0_i32_1 = arith.constant 0 : i32
    return %c0_i32, %c0_i32_0 : i32, i32
  }
  func.func @transform_3(%arg0: i32) -> (i32, i32) {
    %c0_i32 = arith.constant 0 : i32
    %c0_i32_0 = arith.constant 0 : i32
    %c0_i32_1 = arith.constant 0 : i32
    return %c0_i32, %c0_i32_0 : i32, i32
  }
  func.func @transform_4(%arg0: i32) -> (i32, i32) {
    %c0_i32 = arith.constant 0 : i32
    %c0_i32_0 = arith.constant 0 : i32
    %c0_i32_1 = arith.constant 0 : i32
    return %c0_i32, %c0_i32_0 : i32, i32
  }
  func.func @transform_5(%arg0: i32) -> (i32, i32) {
    %c0_i32 = arith.constant 0 : i32
    %c0_i32_0 = arith.constant 0 : i32
    %c0_i32_1 = arith.constant 0 : i32
    return %c0_i32, %c0_i32_0 : i32, i32
  }
  func.func @transform_6(%arg0: i32) -> (i32, i32) {
    %c0_i32 = arith.constant 0 : i32
    %c0_i32_0 = arith.constant 0 : i32
    return %arg0, %c0_i32 : i32, i32
  }
}

</mosaic_0001>

<sc_bundles>
// kernel: kernel.6.cloned.1.call-start
scs
__scs_entry_jumppad:
0x0: {  	(pc) =	sbr.rel $0x88, $3  }
0x1: {  	(tag) =	ssettag $0x0;
	lr =	simm.s32 $0x1  }
0x2: {  	[smem:$0x3F9B] =	sst lr;
	_ =	strace $0xD0000000  }
0x3: {  	_ = 	snop  }
0x4: {  	_ = 	snop  }
0x5: {  	_ = 	snop  }
0x6: {  	_ = 	snop  }
0x7: {  	_ = 	snop  }
__scs_overlays_trampoline_lowered:
0x8: {  	[smem:$0x3FAA] =	sst s0  }
0x9: {  	[smem:$0x3FAB] =	sst s1  }
0xa: {  	[smem:$0x3FAC] =	sst s2  }
0xb: {  	[smem:$0x3FAD] =	sst s3  }
0xc: {  	[smem:$0x3FAE] =	sst s4  }
0xd: {  	[smem:$0x3FAF] =	sst s5  }
0xe: {  	[smem:$0x3FB0] =	sst s6  }
0xf: {  	[smem:$0x3FB1] =	sst s7  }
0x10: {  	[smem:$0x3FB2] =	sst s8  }
0x11: {  	[smem:$0x3FB3] =	sst s9;
	s0 =	simm.s32 @!p0 $0x0  }
0x12: {  	s1 =	sld [smem:$0x3F99];
	s0 =	simm.s32 @p0 $0x1  }
0x13: {  	[smem:$0x3FB4] =	sst s0;
	s0 =	simm.s32 @!p1 $0x0  }
0x14: {  	s2 =	sld [smem:$0x3F98];
	s0 =	simm.s32 @p1 $0x1  }
0x15: {  	[smem:$0x3FB5] =	sst s0;
	s0 =	simm.s32 @!p2 $0x0  }
0x16: {  	s3 =	sld [smem:$0x3FDB];
	s0 =	simm.s32 @p2 $0x1  }
0x17: {  	s4 =	simm.s32 $0x1BF5;
	[smem:$0x3FB7] =	sst s0  }
0x18: {  	s0 =	sld [smem:$0x3F9A];
	_ =	swait.ge [sflag:s4], $0x0  }
0x19: {  	s7 =	sld [smem:$0x3F9B]  }
0x1a: {  	s8 =	sadd.s32 $0xFFFFE003, lr  }
0x1b: {  	s9 =	sadd.s32 $0xFFFFFEF7, lr;
	s5 =	simm.s32 $0xFFFFFFFF;
	p2 =	slt.u32 s8, $0xFFFFF086  }
0x1c: {  	p1 =	slt.u32 s9, $0xF7A;
	s5 =	simm.s32 @!p2 $0x0  }
0x1d: {  	s5 =	simm.s32 @p1 $0x1;
	p0 =	seq.s32 s7, s2  }
0x1e: {  	s7 =	smul.u32 @!p0 $0xF7A, s2;
	p2 =	seq.s32 @!p0 s5, $0x0  }
0x1f: {  	s9 =	smul.u32 $0xF7A, s1;
	s8 =	simm.s32 @!p0 $0x1BF5;
	p2 =	por !p2, p0  }
0x20: {  	[sflag:s8] =	ssyncset.s32 @!p0 $0xFFFFF086;
	s6 =	sadd.s32 @!p0 s3, s7;
	s7 =	simm.s32 @!p0 $0x108  }
0x21: {  	s3 =	sadd.s32 s3, s9;
	s6 =	sadd.s32 @!p0 $0x88, s6;
	s7 =	simm.s32 @p2 $0x1082  }
0x22: {  	[simem:s7], [sflag:s8] =	dma.local @!p0 [hbm:s6], $0xF7A  }
0x23: {  	s9 =	sor.u32 $0xD0000000, s2;
	s6 =	simm.s32 $0x108;
	_ =	swait.ge @!p0 [sflag:s8], $0x0  }
0x24: {  	s3 =	sadd.s32 $0x88, s3;
	s6 =	simm.s32 @!p1 $0x1082;
	[sflag:s4] =	ssyncset.s32 $0xFFFFF086  }
0x25: {  	[simem:s6], [sflag:s4] =	dma.local [hbm:s3], $0xF7A  }
0x26: {  	[smem:$0x3F9B] =	sst s1;
	(tag) =	ssettag s2;
	_ =	strace s9  }
0x27: {  	s1 =	sld [smem:$0x3FAB]  }
0x28: {  	s2 =	sld [smem:$0x3FAC]  }
0x29: {  	s4 =	sld [smem:$0x3FAE]  }
0x2a: {  	p0 =	seq.s32 s5, $0x0;
	s5 =	sld [smem:$0x3FAF]  }
0x2b: {  	s6 =	sld [smem:$0x3FB0]  }
0x2c: {  	s7 =	sld [smem:$0x3FB1]  }
0x2d: {  	s3 =	simm.s32 $0x108;
	s8 =	sld [smem:$0x3FB2]  }
0x2e: {  	s3 =	simm.s32 @!p0 $0x1082;
	s9 =	sld [smem:$0x3FB3]  }
0x2f: {  	lr =	sadd.s32 s0, s3;
	s0 =	sld [smem:$0x3FAA]  }
0x30: {  	s3 =	sld [smem:$0x3FAD]  }
0x31: {  	[smem:$0x3FB6] =	sst s10  }
0x32: {  	s10 =	sld [smem:$0x3FB4];
	_ =	sdelay $0x3  }
0x33: {  	p0 =	seq.s32 s10, $0x1;
	s10 =	sld [smem:$0x3FB6];
	_ =	sdelay $0x3  }
0x34: {  	[smem:$0x3FB6] =	sst s10  }
0x35: {  	s10 =	sld [smem:$0x3FB5];
	_ =	sdelay $0x3  }
0x36: {  	p1 =	seq.s32 s10, $0x1;
	s10 =	sld [smem:$0x3FB6];
	_ =	sdelay $0x3  }
0x37: {  	[smem:$0x3FB6] =	sst s10  }
0x38: {  	s10 =	sld [smem:$0x3FB7]  }
0x39: {  	_ = 	snop;
	(pc) =	sbr.ind lr, $3  }
0x3a: {  	_ = 	snop  }
0x3b: {  	_ = 	snop  }
0x3c: {  	p2 =	seq.s32 s10, $0x1;
	s10 =	sld [smem:$0x3FB6]  }
0x3d: {  	_ =	shalt  }
0x3e: {  	_ =	shalt  }
0x3f: {  	_ =	shalt  }
0x40: {  	_ =	shalt  }
0x41: {  	_ =	shalt  }
0x42: {  	_ =	shalt  }
0x43: {  	_ =	shalt  }
0x44: {  	_ =	shalt  }
0x45: {  	_ =	shalt  }
0x46: {  	_ =	shalt  }
0x47: {  	_ =	shalt  }
0x48: {  	_ =	shalt  }
0x49: {  	_ =	shalt  }
0x4a: {  	_ =	shalt  }
0x4b: {  	_ =	shalt  }
0x4c: {  	_ =	shalt  }
0x4d: {  	_ =	shalt  }
0x4e: {  	_ =	shalt  }
0x4f: {  	_ =	shalt  }
0x50: {  	_ =	shalt  }
0x51: {  	_ =	shalt  }
0x52: {  	_ =	shalt  }
0x53: {  	_ =	shalt  }
0x54: {  	_ =	shalt  }
0x55: {  	_ =	shalt  }
0x56: {  	_ =	shalt  }
0x57: {  	_ =	shalt  }
0x58: {  	_ =	shalt  }
0x59: {  	_ =	shalt  }
0x5a: {  	_ =	shalt  }
0x5b: {  	_ =	shalt  }
0x5c: {  	_ =	shalt  }
0x5d: {  	_ =	shalt  }
0x5e: {  	_ =	shalt  }
0x5f: {  	_ =	shalt  }
0x60: {  	_ =	shalt  }
0x61: {  	_ =	shalt  }
0x62: {  	_ =	shalt  }
0x63: {  	_ =	shalt  }
0x64: {  	_ =	shalt  }
0x65: {  	_ =	shalt  }
0x66: {  	_ =	shalt  }
0x67: {  	_ =	shalt  }
0x68: {  	_ =	shalt  }
0x69: {  	_ =	shalt  }
0x6a: {  	_ =	shalt  }
0x6b: {  	_ =	shalt  }
0x6c: {  	_ =	shalt  }
0x6d: {  	_ =	shalt  }
0x6e: {  	_ =	shalt  }
0x6f: {  	_ =	shalt  }
0x70: {  	_ =	shalt  }
0x71: {  	_ =	shalt  }
0x72: {  	_ =	shalt  }
0x73: {  	_ =	shalt  }
0x74: {  	_ =	shalt  }
0x75: {  	_ =	shalt  }
0x76: {  	_ =	shalt  }
0x77: {  	_ =	shalt  }
0x78: {  	_ =	shalt  }
0x79: {  	_ =	shalt  }
0x7a: {  	_ =	shalt  }
0x7b: {  	_ =	shalt  }
0x7c: {  	_ =	shalt  }
0x7d: {  	_ =	shalt  }
0x7e: {  	_ =	shalt  }
0x7f: {  	_ =	shalt  }
0x80: {  	_ =	shalt  }
0x81: {  	_ =	shalt  }
0x82: {  	_ =	shalt  }
0x83: {  	_ =	shalt  }
0x84: {  	_ =	shalt  }
0x85: {  	_ =	shalt  }
0x86: {  	_ =	shalt  }
0x87: {  	_ =	shalt  }
.Lfunc_end0:
.L_simem_size_0:
called_computation_lowered:
.L_overlay_start_0:
0x88: {  	s2 =	sld [smem:$0x3FD9]  }
0x89: {  	s3 =	sld [smem:$0x3FFE];
	_ =	sdelay $0x1  }
0x8a: {  	s1 =	srdreg.scid  }
0x8b: {  	s0 =	sand.u32 $0x1, s1  }
0x8c: {  	s17 =	sshll.u32 s0, $0xA;
	s2 =	sadd.s32 s3, s2  }
0x8d: {  	s2 =	sadd.s32 s2, s17  }
0x8e: {  	[smem:$0x3FC2] =	sst s2  }
0x8f: {  	_ = 	snop  }
0x90: {  	s2 =	sld [smem:$0x3FC9]  }
0x91: {  	s18 =	sld [smem:$0x3FD0];
	(tm) =	ssettm $0x1  }
0x92: {  	s4 =	sld [smem:$0x3FFB];
	_ =	sdelay $0x3  }
0x93: {  	_ =	strace s4  }
0x94: {  	s4 =	sld [smem:$0x3FFC];
	_ =	sdelay $0x3  }
0x95: {  	_ =	strace s4  }
0x96: {  	s4 =	sld [smem:$0x3FFD];
	_ =	sdelay $0x3  }
0x97: {  	_ =	strace s4  }
0x98: {  	_ =	strace $0x8FFFFFFF  }
0x99: {  	s19 =	sld [smem:$0x3FDB];
	_ =	sdelay $0x1  }
0x9a: {  	s5 =	simm.s32 $_scs_section_size  }
0x9b: {  	s6 =	simm.s32 $_size__tile_overlayer_lowered;
	s7 =	simm.s32 $_tile_overlayer_lowered  }
0x9c: {  	s22 =	simm.s32 $0x1BFF;
	s21 =	sshll.u32 s7, $0x1;
	s4 =	sadd.s32 s5, s19  }
0x9d: {  	s8 =	simm.s32 $0x0;
	s20 =	sshll.u32 s6, $0x1;
	s6 =	sadd.s32 s21, s4  }
0x9e: {  	[timem:s8], [sflag:s22] =	dma.local [hbm:s6], s20  }
0x9f: {  	_ =	swait.ge [sflag:s22], s20  }
0xa0: {  	s5 =	ssub.s32 $0x0, s20;
	[sflag:s22] =	ssyncset.done $0x0  }
0xa1: {  	[sflag:s22] =	ssyncadd.s32 s5;
	_ =	sdelay $0x1  }
0xa2: {  	s23 =	simm.s32 $0x1B8B  }
0xa3: {  	_ =	swait.ge [sflag:s23], $0x1  }
0xa4: {  	[sflag:s23] =	ssyncset.done $0x0  }
0xa5: {  	s25 =	simm.s32 $0x1B8E;
	s24 =	sld [smem:$0x3FFE];
	[sflag:s23] =	ssyncadd.s32 $0xFFFFFFFF  }
0xa6: {  	s26 =	simm.s32 $execute0_lowered;
	[smem:$0x3FD2] =	sst s25  }
0xa7: {  	s6 =	sshll.u32 s26, $0x1;
	_ =	strace $0x80000046;
	[dreg:$0x1] =	wrdreg $0xFFFFFFFF  }
0xa8: {  	s28 =	simm.s32 $_size_execute0_lowered;
	s4 =	sadd.s32 s4, s6;
	[dreg:$0x0] =	wrdreg $0x0  }
0xa9: {  	s6 =	sshll.u32 s28, $0x1;
	[dreg:$0x2] =	wrdreg s4  }
0xaa: {  	[dreg:$0x3] =	wrdreg s6  }
0xab: {  	[dreg:$0x4] =	wrdreg $0xC0  }
0xac: {  	_ =	task [dreg:s8], $0x5FFFF  }
0xad: {  	[dreg:$0x1] =	wrdreg $0xFFFFFFFF  }
0xae: {  	[dreg:$0x0] =	wrdreg $0x60  }
0xaf: {  	[dreg:$0x2] =	wrdreg s2  }
0xb0: {  	[dreg:$0x3] =	wrdreg s24  }
0xb1: {  	[dreg:$0x4] =	wrdreg s18  }
0xb2: {  	[dreg:$0x5] =	wrdreg $0x9  }
0xb3: {  	_ =	task.clear_ibuf [dreg:s8], $0x6FFFF;
	_ =	strace $0x90000046  }
0xb4: {  	s29 =	simm.s32 $0x9;
	_ =	strace $0x80000048  }
0xb5: {  	_ =	swait.ge [sflag:s29], $0x1  }
0xb6: {  	[sflag:s29] =	ssyncadd.s32 $0xFFFFFFFF  }
0xb7: {  	_ =	strace $0x90000048  }
0xb8: {  	_ =	sfence  }
0xb9: {  	s30 =	sld [smem:$0x0];
	_ =	sdelay $0x2  }
0xba: {  	s31 =	sshll.u32 s1, $0xD;
	s1 =	sshrl.u32 s1, $0x2  }
0xbb: {  	s3 =	sand.u32 $0x4000, s31;
	s1 =	sadd.s32 s1, s30  }
0xbc: {  	s0 =	sor.u32 s3, s0;
	s1 =	sshll.u32 s1, $0x11  }
0xbd: {  	s0 =	sor.u32 s1, s0  }
0xbe: {  	s0 =	sadd.s32 $0x8F2B, s0  }
0xbf: {  	[sflag:s0] =	ssyncadd.remote.s32 $0x1  }
0xc0: {  	_ =	sfence.sel $0xFFFF  }
0xc1: {  	[dreg:$0x0] =	wrdreg $0xFFFFFFFF;
	(pc) =	sbr.abs _section_cstart, $3  }
0xc2: {  	[dreg:$0x1] =	wrdreg $0xFFFFFFFF  }
0xc3: {  	_ =	task.clear_ibuf [dreg:s8], $0x2FFFF;
	_ =	strace $0x9FFFFFFF  }
0xc4: {  	(tm) =	ssettm $0x7FFFFFFF  }
0xc5: {  	_ =	shalt  }
tec
execute0_lowered:
.L_overlay_start_1:
0x0: {  	(tag) =	ssettag $0x1  }
0x1: {  	s0 =	rddreg [dreg:$0x0]  }
0x2: {  	s1 =	rddreg [dreg:$0x1]  }
0x3: {  	s2 =	rddreg [dreg:$0x2]  }
0x4: {  	s3 =	srdreg.scid;
	s5 =	stileid.u32  }
0x5: {  	s10 =	simm.s32 $0x880;
	s11 =	simm.s32 $0x1080;
	s12 =	simm.s32 $0x1880  }
0x6: {  	s13 =	simm.s32 $0x2080;
	s14 =	simm.s32 $0x2880;
	s15 =	simm.s32 $0x3080  }
0x7: {  	s16 =	simm.s32 $0x3880;
	s17 =	simm.s32 $0x4080;
	s18 =	simm.s32 $0x4880  }
0x8: {  	s19 =	simm.s32 $0x5080;
	s20 =	simm.s32 $0x5880;
	s21 =	simm.s32 $0x6080  }
0x9: {  	s22 =	simm.s32 $0x6880;
	s23 =	simm.s32 $0x7080;
	s24 =	simm.s32 $0x7880  }
0xa: {  	s28 =	simm.s32 $0x9080;
	s29 =	simm.s32 $0x9880;
	s30 =	simm.s32 $0xA080  }
0xb: {  	s31 =	simm.s32 $0xA880;
	s4 =	sand.u32 $0x1, s3;
	s3 =	simm.s32 $0x0  }
0xc: {  	s5 =	sshll.u32 s5, $0x6;
	s1 =	sadd.s32 $0x1200, s1;
	s6 =	sshll.u32 s4, $0x5  }
0xd: {  	[smem:$0x7FF] =	sst s3;
	s4 =	ssub.s32 $0x2, s4;
	s5 =	sor.u32 s6, s5  }
0xe: {  	_ =	strace $0x80000047;
	s8 =	sshrl.u32 s4, $0x1;
	s6 =	smul.u32 $0x300, s5  }
0xf: {  	s7 =	sadd.s32 s1, s5;
	s5 =	sor.u32 $0x10, s5;
	s26 =	ssub.s32 s4, s8  }
0x10: {  	s4 =	sadd.s32 $0x100, s2;
	[dreg:$0x4] =	wrdreg s7;
	s25 =	smul.u32 $0x300, s5  }
0x11: {  	s1 =	sadd.s32 s1, s5;
	s5 =	sadd.s32 $0x200, s2;
	s7 =	simm.s32 $0x2  }
0x12: {  	v2 =	vlaneseq.u32;
	s6 =	sadd.s32 s0, s6;
	[dreg:$0x6] =	wrdreg s1;
	s1 =	simm.s32 $0x1  }
0x13: {  	vm0 =	vmmov $0xffff;
	v1 =	vshrl.u32 v2, $0x3;
	[dreg:$0x5] =	wrdreg s6;
	s0 =	sadd.s32 s0, s25;
	s6 =	smax.u32 s26, $0x1  }
0x14: {  	v0 =	vand.u32 $0x7, v2;
	v2 =	vor.u32 $0x8, v2;
	v1 =	vmul.u32 $0x8, v1;
	s25 =	simm.s32 $0x8080;
	s26 =	simm.s32 $0x8880;
	[dreg:$0x7] =	wrdreg s0  }
.LBB2_1:
0x15: {  	s9 =	rddreg [dreg:$0x4]  }
0x16: {  	[tilespmem:s3], [sflag:$0x2] =	stream.linear.gather [hbm4b:s9+s3], $0x80, $0x38;
	[tilespmem:$0x18080] =	vst v63  }
0x17: {  	_ =	swait.ge [sflag:s7], $0x80  }
0x18: {  	[sflag:s7] =	ssyncset.done $0x0  }
0x19: {  	s0 =	simm.s32 $0x80;
	s8 =	rddreg [dreg:$0x5];
	[sflag:s7] =	ssyncadd.s32 $0xFFFFFF80  }
0x1a: {  	[tilespmem:s0], [sflag:$0x2] =	stream.linear.gather [hbm4b:s8+s3], $0x18000, $0x38;
	[tilespmem:$0x18080] =	vst v63  }
0x1b: {  	_ =	swait.ge [sflag:s7], $0x18000  }
0x1c: {  	[sflag:s7] =	ssyncset.done $0x0  }
0x1d: {  	[sflag:s7] =	ssyncadd.s32 $0xFFFE8000  }
0x1e: {  	v3 =	vld [tilespmem:$0x0];
	_ =	sdelay $0x4  }
0x1f: {  	v4 =	vshrl.u32 v3, $0x3  }
0x20: {  	v4 =	vmul.u32 $0x30, v4  }
0x21: {  	v3 =	vand.u32 $0x7, v3  }
0x22: {  	v3 =	vor.u32 v3, v4  }
0x23: {  	v4 =	vperm.xlane v3, v0;
	_ =	sdelay $0x1  }
0x24: {  	v4 =	vadd.s32 v1, v4;
	_ =	sdelay $0x3  }
0x25: {  	v3 =	vperm.xlane v3, v2  }
0x26: {  	[hbm4b:s2+s3] =	stream.indirect_vreg.scatter [tilespmem:s0], [sflag:$0x1], $0x80, v4, vm0, $0xb8;
	[tilespmem:$0x18080] =	vst v63  }
0x27: {  	v3 =	vadd.s32 v1, v3  }
0x28: {  	[hbm4b:s4+s3] =	stream.indirect_vreg.scatter [tilespmem:s10], [sflag:$0x1], $0x80, v4, vm0, $0xb8;
	[tilespmem:$0x18080] =	vst v63  }
0x29: {  	_ = 	snop  }
0x2a: {  	[hbm4b:s5+s3] =	stream.indirect_vreg.scatter [tilespmem:s11], [sflag:$0x1], $0x80, v4, vm0, $0xb8;
	[tilespmem:$0x18080] =	vst v63  }
0x2b: {  	_ = 	snop  }
0x2c: {  	[hbm4b:s2+s3] =	stream.indirect_vreg.scatter [tilespmem:s12], [sflag:$0x1], $0x80, v3, vm0, $0xb8;
	[tilespmem:$0x18080] =	vst v63  }
0x2d: {  	_ = 	snop  }
0x2e: {  	[hbm4b:s4+s3] =	stream.indirect_vreg.scatter [tilespmem:s13], [sflag:$0x1], $0x80, v3, vm0, $0xb8;
	[tilespmem:$0x18080] =	vst v63  }
0x2f: {  	_ = 	snop  }
0x30: {  	[hbm4b:s5+s3] =	stream.indirect_vreg.scatter [tilespmem:s14], [sflag:$0x1], $0x80, v3, vm0, $0xb8;
	[tilespmem:$0x18080] =	vst v63  }
0x31: {  	v3 =	vld [tilespmem:$0x10];
	_ =	sdelay $0x4  }
0x32: {  	v49 =	vshrl.u32 v3, $0x3  }
0x33: {  	v4 =	vmul.u32 $0x30, v49  }
0x34: {  	v3 =	vand.u32 $0x7, v3  }
0x35: {  	v3 =	vor.u32 v3, v4  }
0x36: {  	v4 =	vperm.xlane v3, v0;
	_ =	sdelay $0x1  }
0x37: {  	v4 =	vadd.s32 v1, v4;
	_ =	sdelay $0x3  }
0x38: {  	v3 =	vperm.xlane v3, v2  }
0x39: {  	[hbm4b:s2+s3] =	stream.indirect_vreg.scatter [tilespmem:s15], [sflag:$0x1], $0x80, v4, vm0, $0xb8;
	[tilespmem:$0x18080] =	vst v63  }
0x3a: {  	v3 =	vadd.s32 v1, v3  }
0x3b: {  	[hbm4b:s4+s3] =	stream.indirect_vreg.scatter [tilespmem:s16], [sflag:$0x1], $0x80, v4, vm0, $0xb8;
	[tilespmem:$0x18080] =	vst v63  }
0x3c: {  	_ = 	snop  }
0x3d: {  	[hbm4b:s5+s3] =	stream.indirect_vreg.scatter [tilespmem:s17], [sflag:$0x1], $0x80, v4, vm0, $0xb8;
	[tilespmem:$0x18080] =	vst v63  }
0x3e: {  	_ = 	snop  }
0x3f: {  	[hbm4b:s2+s3] =	stream.indirect_vreg.scatter [tilespmem:s18], [sflag:$0x1], $0x80, v3, vm0, $0xb8;
	[tilespmem:$0x18080] =	vst v63  }
0x40: {  	_ = 	snop  }
0x41: {  	[hbm4b:s4+s3] =	stream.indirect_vreg.scatter [tilespmem:s19], [sflag:$0x1], $0x80, v3, vm0, $0xb8;
	[tilespmem:$0x18080] =	vst v63  }
0x42: {  	_ = 	snop  }
0x43: {  	[hbm4b:s5+s3] =	stream.indirect_vreg.scatter [tilespmem:s20], [sflag:$0x1], $0x80, v3, vm0, $0xb8;
	[tilespmem:$0x18080] =	vst v63  }
0x44: {  	v3 =	vld [tilespmem:$0x20];
	_ =	sdelay $0x4  }
0x45: {  	v50 =	vshrl.u32 v3, $0x3  }
0x46: {  	v4 =	vmul.u32 $0x30, v50  }
0x47: {  	v3 =	vand.u32 $0x7, v3  }
0x48: {  	v3 =	vor.u32 v3, v4  }
0x49: {  	v4 =	vperm.xlane v3, v0;
	_ =	sdelay $0x1  }
0x4a: {  	v4 =	vadd.s32 v1, v4;
	_ =	sdelay $0x3  }
0x4b: {  	v3 =	vperm.xlane v3, v2  }
0x4c: {  	[hbm4b:s2+s3] =	stream.indirect_vreg.scatter [tilespmem:s21], [sflag:$0x1], $0x80, v4, vm0, $0xb8;
	[tilespmem:$0x18080] =	vst v63  }
0x4d: {  	v3 =	vadd.s32 v1, v3  }
0x4e: {  	[hbm4b:s4+s3] =	stream.indirect_vreg.scatter [tilespmem:s22], [sflag:$0x1], $0x80, v4, vm0, $0xb8;
	[tilespmem:$0x18080] =	vst v63  }
0x4f: {  	_ = 	snop  }
0x50: {  	[hbm4b:s5+s3] =	stream.indirect_vreg.scatter [tilespmem:s23], [sflag:$0x1], $0x80, v4, vm0, $0xb8;
	[tilespmem:$0x18080] =	vst v63  }
0x51: {  	_ = 	snop  }
0x52: {  	[hbm4b:s2+s3] =	stream.indirect_vreg.scatter [tilespmem:s24], [sflag:$0x1], $0x80, v3, vm0, $0xb8;
	[tilespmem:$0x18080] =	vst v63  }
0x53: {  	_ = 	snop  }
0x54: {  	[hbm4b:s4+s3] =	stream.indirect_vreg.scatter [tilespmem:s25], [sflag:$0x1], $0x80, v3, vm0, $0xb8;
	[tilespmem:$0x18080] =	vst v63  }
0x55: {  	_ = 	snop  }
0x56: {  	[hbm4b:s5+s3] =	stream.indirect_vreg.scatter [tilespmem:s26], [sflag:$0x1], $0x80, v3, vm0, $0xb8;
	[tilespmem:$0x18080] =	vst v63  }
0x57: {  	v3 =	vld [tilespmem:$0x30];
	_ =	sdelay $0x4  }
0x58: {  	v51 =	vshrl.u32 v3, $0x3  }
0x59: {  	v4 =	vmul.u32 $0x30, v51  }
0x5a: {  	v3 =	vand.u32 $0x7, v3  }
0x5b: {  	v3 =	vor.u32 v3, v4  }
0x5c: {  	v4 =	vperm.xlane v3, v0;
	_ =	sdelay $0x1  }
0x5d: {  	v4 =	vadd.s32 v1, v4;
	_ =	sdelay $0x3  }
0x5e: {  	v3 =	vperm.xlane v3, v2  }
0x5f: {  	[hbm4b:s2+s3] =	stream.indirect_vreg.scatter [tilespmem:s28], [sflag:$0x1], $0x80, v4, vm0, $0xb8;
	[tilespmem:$0x18080] =	vst v63  }
0x60: {  	v3 =	vadd.s32 v1, v3  }
0x61: {  	[hbm4b:s4+s3] =	stream.indirect_vreg.scatter [tilespmem:s29], [sflag:$0x1], $0x80, v4, vm0, $0xb8;
	[tilespmem:$0x18080] =	vst v63  }
0x62: {  	_ = 	snop  }
0x63: {  	[hbm4b:s5+s3] =	stream.indirect_vreg.scatter [tilespmem:s30], [sflag:$0x1], $0x80, v4, vm0, $0xb8;
	[tilespmem:$0x18080] =	vst v63  }
0x64: {  	_ = 	snop  }
0x65: {  	[hbm4b:s2+s3] =	stream.indirect_vreg.scatter [tilespmem:s31], [sflag:$0x1], $0x80, v3, vm0, $0xb8;
	[tilespmem:$0x18080] =	vst v63  }
0x66: {  	s8 =	simm.s32 $0xB080  }
0x67: {  	[hbm4b:s4+s3] =	stream.indirect_vreg.scatter [tilespmem:s8], [sflag:$0x1], $0x80, v3, vm0, $0xb8;
	[tilespmem:$0x18080] =	vst v63  }
0x68: {  	s8 =	simm.s32 $0xB880  }
0x69: {  	[hbm4b:s5+s3] =	stream.indirect_vreg.scatter [tilespmem:s8], [sflag:$0x1], $0x80, v3, vm0, $0xb8;
	[tilespmem:$0x18080] =	vst v63  }
0x6a: {  	v3 =	vld [tilespmem:$0x40];
	_ =	sdelay $0x4  }
0x6b: {  	v52 =	vshrl.u32 v3, $0x3  }
0x6c: {  	v4 =	vmul.u32 $0x30, v52  }
0x6d: {  	v3 =	vand.u32 $0x7, v3  }
0x6e: {  	v3 =	vor.u32 v3, v4  }
0x6f: {  	v4 =	vperm.xlane v3, v0;
	_ =	sdelay $0x1  }
0x70: {  	v4 =	vadd.s32 v1, v4;
	_ =	sdelay $0x3  }
0x71: {  	s9 =	simm.s32 $0xC080;
	v3 =	vperm.xlane v3, v2  }
0x72: {  	[hbm4b:s2+s3] =	stream.indirect_vreg.scatter [tilespmem:s9], [sflag:$0x1], $0x80, v4, vm0, $0xb8;
	[tilespmem:$0x18080] =	vst v63  }
0x73: {  	v3 =	vadd.s32 v1, v3;
	s9 =	simm.s32 $0xC880  }
0x74: {  	[hbm4b:s4+s3] =	stream.indirect_vreg.scatter [tilespmem:s9], [sflag:$0x1], $0x80, v4, vm0, $0xb8;
	[tilespmem:$0x18080] =	vst v63  }
0x75: {  	s9 =	simm.s32 $0xD080  }
0x76: {  	[hbm4b:s5+s3] =	stream.indirect_vreg.scatter [tilespmem:s9], [sflag:$0x1], $0x80, v4, vm0, $0xb8;
	[tilespmem:$0x18080] =	vst v63  }
0x77: {  	s9 =	simm.s32 $0xD880  }
0x78: {  	[hbm4b:s2+s3] =	stream.indirect_vreg.scatter [tilespmem:s9], [sflag:$0x1], $0x80, v3, vm0, $0xb8;
	[tilespmem:$0x18080] =	vst v63  }
0x79: {  	s9 =	simm.s32 $0xE080  }
0x7a: {  	[hbm4b:s4+s3] =	stream.indirect_vreg.scatter [tilespmem:s9], [sflag:$0x1], $0x80, v3, vm0, $0xb8;
	[tilespmem:$0x18080] =	vst v63  }
0x7b: {  	s9 =	simm.s32 $0xE880  }
0x7c: {  	[hbm4b:s5+s3] =	stream.indirect_vreg.scatter [tilespmem:s9], [sflag:$0x1], $0x80, v3, vm0, $0xb8;
	[tilespmem:$0x18080] =	vst v63  }
0x7d: {  	v3 =	vld [tilespmem:$0x50];
	_ =	sdelay $0x4  }
0x7e: {  	v53 =	vshrl.u32 v3, $0x3  }
0x7f: {  	v4 =	vmul.u32 $0x30, v53  }
0x80: {  	v3 =	vand.u32 $0x7, v3  }
0x81: {  	v3 =	vor.u32 v3, v4  }
0x82: {  	v4 =	vperm.xlane v3, v0;
	_ =	sdelay $0x1  }
0x83: {  	v4 =	vadd.s32 v1, v4;
	_ =	sdelay $0x3  }
0x84: {  	s9 =	simm.s32 $0xF080;
	v3 =	vperm.xlane v3, v2  }
0x85: {  	[hbm4b:s2+s3] =	stream.indirect_vreg.scatter [tilespmem:s9], [sflag:$0x1], $0x80, v4, vm0, $0xb8;
	[tilespmem:$0x18080] =	vst v63  }
0x86: {  	v3 =	vadd.s32 v1, v3;
	s9 =	simm.s32 $0xF880  }
0x87: {  	[hbm4b:s4+s3] =	stream.indirect_vreg.scatter [tilespmem:s9], [sflag:$0x1], $0x80, v4, vm0, $0xb8;
	[tilespmem:$0x18080] =	vst v63  }
0x88: {  	s9 =	simm.s32 $0x10080  }
0x89: {  	[hbm4b:s5+s3] =	stream.indirect_vreg.scatter [tilespmem:s9], [sflag:$0x1], $0x80, v4, vm0, $0xb8;
	[tilespmem:$0x18080] =	vst v63  }
0x8a: {  	s9 =	simm.s32 $0x10880  }
0x8b: {  	[hbm4b:s2+s3] =	stream.indirect_vreg.scatter [tilespmem:s9], [sflag:$0x1], $0x80, v3, vm0, $0xb8;
	[tilespmem:$0x18080] =	vst v63  }
0x8c: {  	s9 =	simm.s32 $0x11080  }
0x8d: {  	[hbm4b:s4+s3] =	stream.indirect_vreg.scatter [tilespmem:s9], [sflag:$0x1], $0x80, v3, vm0, $0xb8;
	[tilespmem:$0x18080] =	vst v63  }
0x8e: {  	s9 =	simm.s32 $0x11880  }
0x8f: {  	[hbm4b:s5+s3] =	stream.indirect_vreg.scatter [tilespmem:s9], [sflag:$0x1], $0x80, v3, vm0, $0xb8;
	[tilespmem:$0x18080] =	vst v63  }
0x90: {  	v3 =	vld [tilespmem:$0x60];
	_ =	sdelay $0x4  }
0x91: {  	v54 =	vshrl.u32 v3, $0x3  }
0x92: {  	v4 =	vmul.u32 $0x30, v54  }
0x93: {  	v3 =	vand.u32 $0x7, v3  }
0x94: {  	v3 =	vor.u32 v3, v4  }
0x95: {  	v4 =	vperm.xlane v3, v0;
	_ =	sdelay $0x1  }
0x96: {  	v4 =	vadd.s32 v1, v4;
	_ =	sdelay $0x3  }
0x97: {  	s9 =	simm.s32 $0x12080;
	v3 =	vperm.xlane v3, v2  }
0x98: {  	[hbm4b:s2+s3] =	stream.indirect_vreg.scatter [tilespmem:s9], [sflag:$0x1], $0x80, v4, vm0, $0xb8;
	[tilespmem:$0x18080] =	vst v63  }
0x99: {  	v3 =	vadd.s32 v1, v3;
	s9 =	simm.s32 $0x12880  }
0x9a: {  	[hbm4b:s4+s3] =	stream.indirect_vreg.scatter [tilespmem:s9], [sflag:$0x1], $0x80, v4, vm0, $0xb8;
	[tilespmem:$0x18080] =	vst v63  }
0x9b: {  	s9 =	simm.s32 $0x13080  }
0x9c: {  	[hbm4b:s5+s3] =	stream.indirect_vreg.scatter [tilespmem:s9], [sflag:$0x1], $0x80, v4, vm0, $0xb8;
	[tilespmem:$0x18080] =	vst v63  }
0x9d: {  	s9 =	simm.s32 $0x13880  }
0x9e: {  	[hbm4b:s2+s3] =	stream.indirect_vreg.scatter [tilespmem:s9], [sflag:$0x1], $0x80, v3, vm0, $0xb8;
	[tilespmem:$0x18080] =	vst v63  }
0x9f: {  	s9 =	simm.s32 $0x14080  }
0xa0: {  	[hbm4b:s4+s3] =	stream.indirect_vreg.scatter [tilespmem:s9], [sflag:$0x1], $0x80, v3, vm0, $0xb8;
	[tilespmem:$0x18080] =	vst v63  }
0xa1: {  	s9 =	simm.s32 $0x14880  }
0xa2: {  	[hbm4b:s5+s3] =	stream.indirect_vreg.scatter [tilespmem:s9], [sflag:$0x1], $0x80, v3, vm0, $0xb8;
	[tilespmem:$0x18080] =	vst v63  }
0xa3: {  	v3 =	vld [tilespmem:$0x70];
	_ =	sdelay $0x4  }
0xa4: {  	v55 =	vshrl.u32 v3, $0x3  }
0xa5: {  	v4 =	vmul.u32 $0x30, v55  }
0xa6: {  	v3 =	vand.u32 $0x7, v3  }
0xa7: {  	v3 =	vor.u32 v3, v4  }
0xa8: {  	v4 =	vperm.xlane v3, v0;
	_ =	sdelay $0x1  }
0xa9: {  	v4 =	vadd.s32 v1, v4;
	_ =	sdelay $0x3  }
0xaa: {  	s9 =	simm.s32 $0x15080;
	v3 =	vperm.xlane v3, v2  }
0xab: {  	[hbm4b:s2+s3] =	stream.indirect_vreg.scatter [tilespmem:s9], [sflag:$0x1], $0x80, v4, vm0, $0xb8;
	[tilespmem:$0x18080] =	vst v63  }
0xac: {  	v3 =	vadd.s32 v1, v3;
	s9 =	simm.s32 $0x15880  }
0xad: {  	[hbm4b:s4+s3] =	stream.indirect_vreg.scatter [tilespmem:s9], [sflag:$0x1], $0x80, v4, vm0, $0xb8;
	[tilespmem:$0x18080] =	vst v63  }
0xae: {  	s9 =	simm.s32 $0x16080  }
0xaf: {  	[hbm4b:s5+s3] =	stream.indirect_vreg.scatter [tilespmem:s9], [sflag:$0x1], $0x80, v4, vm0, $0xb8;
	[tilespmem:$0x18080] =	vst v63  }
0xb0: {  	s9 =	simm.s32 $0x16880  }
0xb1: {  	[hbm4b:s2+s3] =	stream.indirect_vreg.scatter [tilespmem:s9], [sflag:$0x1], $0x80, v3, vm0, $0xb8;
	[tilespmem:$0x18080] =	vst v63  }
0xb2: {  	s9 =	simm.s32 $0x17080  }
0xb3: {  	[hbm4b:s4+s3] =	stream.indirect_vreg.scatter [tilespmem:s9], [sflag:$0x1], $0x80, v3, vm0, $0xb8;
	[tilespmem:$0x18080] =	vst v63  }
0xb4: {  	s9 =	simm.s32 $0x17880  }
0xb5: {  	[hbm4b:s5+s3] =	stream.indirect_vreg.scatter [tilespmem:s9], [sflag:$0x1], $0x80, v3, vm0, $0xb8;
	[tilespmem:$0x18080] =	vst v63  }
0xb6: {  	_ =	swait.ge [sflag:s1], $0x18000  }
0xb7: {  	[sflag:s1] =	ssyncset.done $0x0  }
0xb8: {  	s9 =	rddreg [dreg:$0x6];
	[sflag:s1] =	ssyncadd.s32 $0xFFFE8000  }
0xb9: {  	[tilespmem:s3], [sflag:$0x2] =	stream.linear.gather [hbm4b:s9+s3], $0x80, $0x38;
	[tilespmem:$0x18080] =	vst v63  }
0xba: {  	_ =	swait.ge [sflag:s7], $0x80  }
0xbb: {  	[sflag:s7] =	ssyncset.done $0x0  }
0xbc: {  	s9 =	rddreg [dreg:$0x7];
	[sflag:s7] =	ssyncadd.s32 $0xFFFFFF80  }
0xbd: {  	[tilespmem:s0], [sflag:$0x2] =	stream.linear.gather [hbm4b:s9+s3], $0x18000, $0x38;
	[tilespmem:$0x18080] =	vst v63  }
0xbe: {  	_ =	swait.ge [sflag:s7], $0x18000  }
0xbf: {  	[sflag:s7] =	ssyncset.done $0x0  }
0xc0: {  	[sflag:s7] =	ssyncadd.s32 $0xFFFE8000  }
0xc1: {  	v3 =	vld [tilespmem:$0x0];
	_ =	sdelay $0x4  }
0xc2: {  	v56 =	vshrl.u32 v3, $0x3  }
0xc3: {  	v4 =	vmul.u32 $0x30, v56  }
0xc4: {  	v3 =	vand.u32 $0x7, v3  }
0xc5: {  	v3 =	vor.u32 v3, v4  }
0xc6: {  	v4 =	vperm.xlane v3, v0;
	_ =	sdelay $0x1  }
0xc7: {  	v4 =	vadd.s32 v1, v4;
	_ =	sdelay $0x3  }
0xc8: {  	v3 =	vperm.xlane v3, v2  }
0xc9: {  	[hbm4b:s2+s3] =	stream.indirect_vreg.scatter [tilespmem:s0], [sflag:$0x1], $0x80, v4, vm0, $0xb8;
	[tilespmem:$0x18080] =	vst v63  }
0xca: {  	v3 =	vadd.s32 v1, v3  }
0xcb: {  	[hbm4b:s4+s3] =	stream.indirect_vreg.scatter [tilespmem:s10], [sflag:$0x1], $0x80, v4, vm0, $0xb8;
	[tilespmem:$0x18080] =	vst v63  }
0xcc: {  	_ = 	snop  }
0xcd: {  	[hbm4b:s5+s3] =	stream.indirect_vreg.scatter [tilespmem:s11], [sflag:$0x1], $0x80, v4, vm0, $0xb8;
	[tilespmem:$0x18080] =	vst v63  }
0xce: {  	_ = 	snop  }
0xcf: {  	[hbm4b:s2+s3] =	stream.indirect_vreg.scatter [tilespmem:s12], [sflag:$0x1], $0x80, v3, vm0, $0xb8;
	[tilespmem:$0x18080] =	vst v63  }
0xd0: {  	_ = 	snop  }
0xd1: {  	[hbm4b:s4+s3] =	stream.indirect_vreg.scatter [tilespmem:s13], [sflag:$0x1], $0x80, v3, vm0, $0xb8;
	[tilespmem:$0x18080] =	vst v63  }
0xd2: {  	_ = 	snop  }
0xd3: {  	[hbm4b:s5+s3] =	stream.indirect_vreg.scatter [tilespmem:s14], [sflag:$0x1], $0x80, v3, vm0, $0xb8;
	[tilespmem:$0x18080] =	vst v63  }
0xd4: {  	v3 =	vld [tilespmem:$0x10];
	_ =	sdelay $0x4  }
0xd5: {  	v57 =	vshrl.u32 v3, $0x3  }
0xd6: {  	v4 =	vmul.u32 $0x30, v57  }
0xd7: {  	v3 =	vand.u32 $0x7, v3  }
0xd8: {  	v3 =	vor.u32 v3, v4  }
0xd9: {  	v4 =	vperm.xlane v3, v0;
	_ =	sdelay $0x1  }
0xda: {  	v4 =	vadd.s32 v1, v4;
	_ =	sdelay $0x3  }
0xdb: {  	v3 =	vperm.xlane v3, v2  }
0xdc: {  	[hbm4b:s2+s3] =	stream.indirect_vreg.scatter [tilespmem:s15], [sflag:$0x1], $0x80, v4, vm0, $0xb8;
	[tilespmem:$0x18080] =	vst v63  }
0xdd: {  	v3 =	vadd.s32 v1, v3  }
0xde: {  	[hbm4b:s4+s3] =	stream.indirect_vreg.scatter [tilespmem:s16], [sflag:$0x1], $0x80, v4, vm0, $0xb8;
	[tilespmem:$0x18080] =	vst v63  }
0xdf: {  	_ = 	snop  }
0xe0: {  	[hbm4b:s5+s3] =	stream.indirect_vreg.scatter [tilespmem:s17], [sflag:$0x1], $0x80, v4, vm0, $0xb8;
	[tilespmem:$0x18080] =	vst v63  }
0xe1: {  	_ = 	snop  }
0xe2: {  	[hbm4b:s2+s3] =	stream.indirect_vreg.scatter [tilespmem:s18], [sflag:$0x1], $0x80, v3, vm0, $0xb8;
	[tilespmem:$0x18080] =	vst v63  }
0xe3: {  	_ = 	snop  }
0xe4: {  	[hbm4b:s4+s3] =	stream.indirect_vreg.scatter [tilespmem:s19], [sflag:$0x1], $0x80, v3, vm0, $0xb8;
	[tilespmem:$0x18080] =	vst v63  }
0xe5: {  	_ = 	snop  }
0xe6: {  	[hbm4b:s5+s3] =	stream.indirect_vreg.scatter [tilespmem:s20], [sflag:$0x1], $0x80, v3, vm0, $0xb8;
	[tilespmem:$0x18080] =	vst v63  }
0xe7: {  	v3 =	vld [tilespmem:$0x20];
	_ =	sdelay $0x4  }
0xe8: {  	v58 =	vshrl.u32 v3, $0x3  }
0xe9: {  	v4 =	vmul.u32 $0x30, v58  }
0xea: {  	v3 =	vand.u32 $0x7, v3  }
0xeb: {  	v3 =	vor.u32 v3, v4  }
0xec: {  	v4 =	vperm.xlane v3, v0;
	_ =	sdelay $0x1  }
0xed: {  	v4 =	vadd.s32 v1, v4;
	_ =	sdelay $0x3  }
0xee: {  	v3 =	vperm.xlane v3, v2  }
0xef: {  	[hbm4b:s2+s3] =	stream.indirect_vreg.scatter [tilespmem:s21], [sflag:$0x1], $0x80, v4, vm0, $0xb8;
	[tilespmem:$0x18080] =	vst v63  }
0xf0: {  	v3 =	vadd.s32 v1, v3  }
0xf1: {  	[hbm4b:s4+s3] =	stream.indirect_vreg.scatter [tilespmem:s22], [sflag:$0x1], $0x80, v4, vm0, $0xb8;
	[tilespmem:$0x18080] =	vst v63  }
0xf2: {  	_ = 	snop  }
0xf3: {  	[hbm4b:s5+s3] =	stream.indirect_vreg.scatter [tilespmem:s23], [sflag:$0x1], $0x80, v4, vm0, $0xb8;
	[tilespmem:$0x18080] =	vst v63  }
0xf4: {  	_ = 	snop  }
0xf5: {  	[hbm4b:s2+s3] =	stream.indirect_vreg.scatter [tilespmem:s24], [sflag:$0x1], $0x80, v3, vm0, $0xb8;
	[tilespmem:$0x18080] =	vst v63  }
0xf6: {  	_ = 	snop  }
0xf7: {  	[hbm4b:s4+s3] =	stream.indirect_vreg.scatter [tilespmem:s25], [sflag:$0x1], $0x80, v3, vm0, $0xb8;
	[tilespmem:$0x18080] =	vst v63  }
0xf8: {  	_ = 	snop  }
0xf9: {  	[hbm4b:s5+s3] =	stream.indirect_vreg.scatter [tilespmem:s26], [sflag:$0x1], $0x80, v3, vm0, $0xb8;
	[tilespmem:$0x18080] =	vst v63  }
0xfa: {  	v3 =	vld [tilespmem:$0x30];
	_ =	sdelay $0x4  }
0xfb: {  	v59 =	vshrl.u32 v3, $0x3  }
0xfc: {  	v4 =	vmul.u32 $0x30, v59  }
0xfd: {  	v3 =	vand.u32 $0x7, v3  }
0xfe: {  	v3 =	vor.u32 v3, v4  }
0xff: {  	v4 =	vperm.xlane v3, v0;
	_ =	sdelay $0x1  }
0x100: {  	v4 =	vadd.s32 v1, v4;
	_ =	sdelay $0x3  }
0x101: {  	v3 =	vperm.xlane v3, v2  }
0x102: {  	[hbm4b:s2+s3] =	stream.indirect_vreg.scatter [tilespmem:s28], [sflag:$0x1], $0x80, v4, vm0, $0xb8;
	[tilespmem:$0x18080] =	vst v63  }
0x103: {  	v3 =	vadd.s32 v1, v3  }
0x104: {  	[hbm4b:s4+s3] =	stream.indirect_vreg.scatter [tilespmem:s29], [sflag:$0x1], $0x80, v4, vm0, $0xb8;
	[tilespmem:$0x18080] =	vst v63  }
0x105: {  	_ = 	snop  }
0x106: {  	[hbm4b:s5+s3] =	stream.indirect_vreg.scatter [tilespmem:s30], [sflag:$0x1], $0x80, v4, vm0, $0xb8;
	[tilespmem:$0x18080] =	vst v63  }
0x107: {  	_ = 	snop  }
0x108: {  	[hbm4b:s2+s3] =	stream.indirect_vreg.scatter [tilespmem:s31], [sflag:$0x1], $0x80, v3, vm0, $0xb8;
	[tilespmem:$0x18080] =	vst v63  }
0x109: {  	s9 =	simm.s32 $0xB080  }
0x10a: {  	[hbm4b:s4+s3] =	stream.indirect_vreg.scatter [tilespmem:s9], [sflag:$0x1], $0x80, v3, vm0, $0xb8;
	[tilespmem:$0x18080] =	vst v63  }
0x10b: {  	_ = 	snop  }
0x10c: {  	[hbm4b:s5+s3] =	stream.indirect_vreg.scatter [tilespmem:s8], [sflag:$0x1], $0x80, v3, vm0, $0xb8;
	[tilespmem:$0x18080] =	vst v63  }
0x10d: {  	v3 =	vld [tilespmem:$0x40];
	_ =	sdelay $0x4  }
0x10e: {  	v60 =	vshrl.u32 v3, $0x3  }
0x10f: {  	v4 =	vmul.u32 $0x30, v60  }
0x110: {  	v3 =	vand.u32 $0x7, v3  }
0x111: {  	v3 =	vor.u32 v3, v4  }
0x112: {  	v4 =	vperm.xlane v3, v0;
	_ =	sdelay $0x1  }
0x113: {  	v4 =	vadd.s32 v1, v4;
	_ =	sdelay $0x3  }
0x114: {  	s8 =	simm.s32 $0xC080;
	v3 =	vperm.xlane v3, v2  }
0x115: {  	[hbm4b:s2+s3] =	stream.indirect_vreg.scatter [tilespmem:s8], [sflag:$0x1], $0x80, v4, vm0, $0xb8;
	[tilespmem:$0x18080] =	vst v63  }
0x116: {  	s9 =	simm.s32 $0xC880;
	v3 =	vadd.s32 v1, v3  }
0x117: {  	[hbm4b:s4+s3] =	stream.indirect_vreg.scatter [tilespmem:s9], [sflag:$0x1], $0x80, v4, vm0, $0xb8;
	[tilespmem:$0x18080] =	vst v63  }
0x118: {  	s8 =	simm.s32 $0xD080  }
0x119: {  	[hbm4b:s5+s3] =	stream.indirect_vreg.scatter [tilespmem:s8], [sflag:$0x1], $0x80, v4, vm0, $0xb8;
	[tilespmem:$0x18080] =	vst v63  }
0x11a: {  	s9 =	simm.s32 $0xD880  }
0x11b: {  	[hbm4b:s2+s3] =	stream.indirect_vreg.scatter [tilespmem:s9], [sflag:$0x1], $0x80, v3, vm0, $0xb8;
	[tilespmem:$0x18080] =	vst v63  }
0x11c: {  	s8 =	simm.s32 $0xE080  }
0x11d: {  	[hbm4b:s4+s3] =	stream.indirect_vreg.scatter [tilespmem:s8], [sflag:$0x1], $0x80, v3, vm0, $0xb8;
	[tilespmem:$0x18080] =	vst v63  }
0x11e: {  	s9 =	simm.s32 $0xE880  }
0x11f: {  	[hbm4b:s5+s3] =	stream.indirect_vreg.scatter [tilespmem:s9], [sflag:$0x1], $0x80, v3, vm0, $0xb8;
	[tilespmem:$0x18080] =	vst v63  }
0x120: {  	v3 =	vld [tilespmem:$0x50];
	_ =	sdelay $0x4  }
0x121: {  	v61 =	vshrl.u32 v3, $0x3  }
0x122: {  	v4 =	vmul.u32 $0x30, v61  }
0x123: {  	v3 =	vand.u32 $0x7, v3  }
0x124: {  	v3 =	vor.u32 v3, v4  }
0x125: {  	v4 =	vperm.xlane v3, v0;
	_ =	sdelay $0x1  }
0x126: {  	v4 =	vadd.s32 v1, v4;
	_ =	sdelay $0x3  }
0x127: {  	s8 =	simm.s32 $0xF080;
	v3 =	vperm.xlane v3, v2  }
0x128: {  	[hbm4b:s2+s3] =	stream.indirect_vreg.scatter [tilespmem:s8], [sflag:$0x1], $0x80, v4, vm0, $0xb8;
	[tilespmem:$0x18080] =	vst v63  }
0x129: {  	s9 =	simm.s32 $0xF880;
	v3 =	vadd.s32 v1, v3  }
0x12a: {  	[hbm4b:s4+s3] =	stream.indirect_vreg.scatter [tilespmem:s9], [sflag:$0x1], $0x80, v4, vm0, $0xb8;
	[tilespmem:$0x18080] =	vst v63  }
0x12b: {  	s8 =	simm.s32 $0x10080  }
0x12c: {  	[hbm4b:s5+s3] =	stream.indirect_vreg.scatter [tilespmem:s8], [sflag:$0x1], $0x80, v4, vm0, $0xb8;
	[tilespmem:$0x18080] =	vst v63  }
0x12d: {  	s9 =	simm.s32 $0x10880  }
0x12e: {  	[hbm4b:s2+s3] =	stream.indirect_vreg.scatter [tilespmem:s9], [sflag:$0x1], $0x80, v3, vm0, $0xb8;
	[tilespmem:$0x18080] =	vst v63  }
0x12f: {  	s8 =	simm.s32 $0x11080  }
0x130: {  	[hbm4b:s4+s3] =	stream.indirect_vreg.scatter [tilespmem:s8], [sflag:$0x1], $0x80, v3, vm0, $0xb8;
	[tilespmem:$0x18080] =	vst v63  }
0x131: {  	s9 =	simm.s32 $0x11880  }
0x132: {  	[hbm4b:s5+s3] =	stream.indirect_vreg.scatter [tilespmem:s9], [sflag:$0x1], $0x80, v3, vm0, $0xb8;
	[tilespmem:$0x18080] =	vst v63  }
0x133: {  	v3 =	vld [tilespmem:$0x60];
	_ =	sdelay $0x4  }
0x134: {  	v62 =	vshrl.u32 v3, $0x3  }
0x135: {  	v4 =	vmul.u32 $0x30, v62  }
0x136: {  	v3 =	vand.u32 $0x7, v3  }
0x137: {  	v3 =	vor.u32 v3, v4  }
0x138: {  	v4 =	vperm.xlane v3, v0;
	_ =	sdelay $0x1  }
0x139: {  	v4 =	vadd.s32 v1, v4;
	_ =	sdelay $0x3  }
0x13a: {  	s8 =	simm.s32 $0x12080;
	v3 =	vperm.xlane v3, v2  }
0x13b: {  	[hbm4b:s2+s3] =	stream.indirect_vreg.scatter [tilespmem:s8], [sflag:$0x1], $0x80, v4, vm0, $0xb8;
	[tilespmem:$0x18080] =	vst v63  }
0x13c: {  	s9 =	simm.s32 $0x12880;
	v3 =	vadd.s32 v1, v3  }
0x13d: {  	[hbm4b:s4+s3] =	stream.indirect_vreg.scatter [tilespmem:s9], [sflag:$0x1], $0x80, v4, vm0, $0xb8;
	[tilespmem:$0x18080] =	vst v63  }
0x13e: {  	s8 =	simm.s32 $0x13080  }
0x13f: {  	[hbm4b:s5+s3] =	stream.indirect_vreg.scatter [tilespmem:s8], [sflag:$0x1], $0x80, v4, vm0, $0xb8;
	[tilespmem:$0x18080] =	vst v63  }
0x140: {  	s9 =	simm.s32 $0x13880  }
0x141: {  	[hbm4b:s2+s3] =	stream.indirect_vreg.scatter [tilespmem:s9], [sflag:$0x1], $0x80, v3, vm0, $0xb8;
	[tilespmem:$0x18080] =	vst v63  }
0x142: {  	s8 =	simm.s32 $0x14080  }
0x143: {  	[hbm4b:s4+s3] =	stream.indirect_vreg.scatter [tilespmem:s8], [sflag:$0x1], $0x80, v3, vm0, $0xb8;
	[tilespmem:$0x18080] =	vst v63  }
0x144: {  	s9 =	simm.s32 $0x14880  }
0x145: {  	[hbm4b:s5+s3] =	stream.indirect_vreg.scatter [tilespmem:s9], [sflag:$0x1], $0x80, v3, vm0, $0xb8;
	[tilespmem:$0x18080] =	vst v63  }
0x146: {  	v3 =	vld [tilespmem:$0x70];
	_ =	sdelay $0x4  }
0x147: {  	v63 =	vshrl.u32 v3, $0x3  }
0x148: {  	v4 =	vmul.u32 $0x30, v63  }
0x149: {  	v3 =	vand.u32 $0x7, v3  }
0x14a: {  	v3 =	vor.u32 v3, v4  }
0x14b: {  	v4 =	vperm.xlane v3, v0;
	_ =	sdelay $0x1  }
0x14c: {  	v4 =	vadd.s32 v1, v4;
	_ =	sdelay $0x3  }
0x14d: {  	s8 =	simm.s32 $0x15080;
	v3 =	vperm.xlane v3, v2  }
0x14e: {  	[hbm4b:s2+s3] =	stream.indirect_vreg.scatter [tilespmem:s8], [sflag:$0x1], $0x80, v4, vm0, $0xb8;
	[tilespmem:$0x18080] =	vst v63  }
0x14f: {  	s9 =	simm.s32 $0x15880;
	v3 =	vadd.s32 v1, v3  }
0x150: {  	[hbm4b:s4+s3] =	stream.indirect_vreg.scatter [tilespmem:s9], [sflag:$0x1], $0x80, v4, vm0, $0xb8;
	[tilespmem:$0x18080] =	vst v63  }
0x151: {  	s8 =	simm.s32 $0x16080  }
0x152: {  	[hbm4b:s5+s3] =	stream.indirect_vreg.scatter [tilespmem:s8], [sflag:$0x1], $0x80, v4, vm0, $0xb8;
	[tilespmem:$0x18080] =	vst v63  }
0x153: {  	s9 =	simm.s32 $0x16880  }
0x154: {  	[hbm4b:s2+s3] =	stream.indirect_vreg.scatter [tilespmem:s9], [sflag:$0x1], $0x80, v3, vm0, $0xb8;
	[tilespmem:$0x18080] =	vst v63  }
0x155: {  	p0 =	sne.s32 s6, $0x1;
	s8 =	simm.s32 $0x17080  }
0x156: {  	[hbm4b:s4+s3] =	stream.indirect_vreg.scatter [tilespmem:s8], [sflag:$0x1], $0x80, v3, vm0, $0xb8;
	[tilespmem:$0x18080] =	vst v63  }
.Ltmp0:
0x157: {  	s9 =	simm.s32 $0x17880;
	(pc) =	sbr.rel @p0 .LBB2_1-.Ltmp0, $4  }
0x158: {  	[hbm4b:s5+s3] =	stream.indirect_vreg.scatter [tilespmem:s9], [sflag:$0x1], $0x80, v3, vm0, $0xb8;
	[tilespmem:$0x18080] =	vst v63  }
0x159: {  	_ =	swait.ge [sflag:s1], $0x18000  }
0x15a: {  	[sflag:s1] =	ssyncset.done $0x0  }
0x15b: {  	s6 =	sadd.s32 $0xFFFFFFFF, s6;
	[sflag:s1] =	ssyncadd.s32 $0xFFFE8000  }
0x15c: {  	_ =	sfence.sel $0x180000  }
0x15d: {  	[bflag:$0x0] =	sbarrier.arrive $0xFFFF  }
0x15e: {  	_ =	strace $0x90000047  }
0x15f: {  	s0 =	stileid.u32;
	[bflag:$0x2] =	sbarrier.arrive $0xFFFF  }
0x160: {  	p0 =	sne.s32 s0, $0x0;
	s0 =	rddreg [dreg:$0x3]  }
0x161: {  	s0 =	sadd.s32 @!p0 $0x100000, s0  }
0x162: {  	[sflag:s0] =	ssyncadd.tile.s32 @!p0 $0x1;
	_ =	shalt  }
.Lfunc_end2:
_tile_overlayer_lowered:
.L_overlay_start_2:
0x163: {  	(tag) =	ssettag $0x2  }
0x164: {  	s0 =	rddreg [dreg:$0x0];
	s2 =	stileid.u32  }
0x165: {  	s1 =	rddreg [dreg:$0x1];
	p0 =	sne.s32 s2, $0x0  }
0x166: {  	s3 =	rddreg [dreg:$0x2];
	[bflag:$0x3] =	sbarrier.arrive $0xFFFF;
	s2 =	simm.s32 @!p0 $0x1C02  }
0x167: {  	[timem:s3], [sflag:s2] =	dma.local @!p0 [hbm:s0], s1  }
0x168: {  	s0 =	simm.s32 @!p0 $0x2  }
0x169: {  	_ =	swait.ge @!p0 [sflag:s0], s1  }
0x16a: {  	s1 =	ssub.s32 @!p0 $0x0, s1;
	[sflag:s0] =	ssyncset.done @!p0 $0x0  }
0x16b: {  	[sflag:s0] =	ssyncadd.s32 @!p0 s1  }
0x16c: {  	[bflag:$0x3] =	sbarrier.arrive $0xFFFF  }
0x16d: {  	_ =	shalt  }

// kernel: kernel.9.cloned.1.call-start
scs
__scs_entry_jumppad:
0x0: {  	(pc) =	sbr.rel $0x88, $3  }
0x1: {  	(tag) =	ssettag $0x0;
	lr =	simm.s32 $0x1  }
0x2: {  	[smem:$0x3F9B] =	sst lr;
	_ =	strace $0xD0000000  }
0x3: {  	_ = 	snop  }
0x4: {  	_ = 	snop  }
0x5: {  	_ = 	snop  }
0x6: {  	_ = 	snop  }
0x7: {  	_ = 	snop  }
__scs_overlays_trampoline_lowered:
0x8: {  	[smem:$0x3FAA] =	sst s0  }
0x9: {  	[smem:$0x3FAB] =	sst s1  }
0xa: {  	[smem:$0x3FAC] =	sst s2  }
0xb: {  	[smem:$0x3FAD] =	sst s3  }
0xc: {  	[smem:$0x3FAE] =	sst s4  }
0xd: {  	[smem:$0x3FAF] =	sst s5  }
0xe: {  	[smem:$0x3FB0] =	sst s6  }
0xf: {  	[smem:$0x3FB1] =	sst s7  }
0x10: {  	[smem:$0x3FB2] =	sst s8  }
0x11: {  	[smem:$0x3FB3] =	sst s9;
	s0 =	simm.s32 @!p0 $0x0  }
0x12: {  	s1 =	sld [smem:$0x3F99];
	s0 =	simm.s32 @p0 $0x1  }
0x13: {  	[smem:$0x3FB4] =	sst s0;
	s0 =	simm.s32 @!p1 $0x0  }
0x14: {  	s2 =	sld [smem:$0x3F98];
	s0 =	simm.s32 @p1 $0x1  }
0x15: {  	[smem:$0x3FB5] =	sst s0;
	s0 =	simm.s32 @!p2 $0x0  }
0x16: {  	s3 =	sld [smem:$0x3FDB];
	s0 =	simm.s32 @p2 $0x1  }
0x17: {  	s4 =	simm.s32 $0x1BF5;
	[smem:$0x3FB7] =	sst s0  }
0x18: {  	s0 =	sld [smem:$0x3F9A];
	_ =	swait.ge [sflag:s4], $0x0  }
0x19: {  	s7 =	sld [smem:$0x3F9B]  }
0x1a: {  	s8 =	sadd.s32 $0xFFFFE003, lr  }
0x1b: {  	s9 =	sadd.s32 $0xFFFFFEF7, lr;
	s5 =	simm.s32 $0xFFFFFFFF;
	p2 =	slt.u32 s8, $0xFFFFF086  }
0x1c: {  	p1 =	slt.u32 s9, $0xF7A;
	s5 =	simm.s32 @!p2 $0x0  }
0x1d: {  	s5 =	simm.s32 @p1 $0x1;
	p0 =	seq.s32 s7, s2  }
0x1e: {  	s7 =	smul.u32 @!p0 $0xF7A, s2;
	p2 =	seq.s32 @!p0 s5, $0x0  }
0x1f: {  	s9 =	smul.u32 $0xF7A, s1;
	s8 =	simm.s32 @!p0 $0x1BF5;
	p2 =	por !p2, p0  }
0x20: {  	[sflag:s8] =	ssyncset.s32 @!p0 $0xFFFFF086;
	s6 =	sadd.s32 @!p0 s3, s7;
	s7 =	simm.s32 @!p0 $0x108  }
0x21: {  	s3 =	sadd.s32 s3, s9;
	s6 =	sadd.s32 @!p0 $0x88, s6;
	s7 =	simm.s32 @p2 $0x1082  }
0x22: {  	[simem:s7], [sflag:s8] =	dma.local @!p0 [hbm:s6], $0xF7A  }
0x23: {  	s9 =	sor.u32 $0xD0000000, s2;
	s6 =	simm.s32 $0x108;
	_ =	swait.ge @!p0 [sflag:s8], $0x0  }
0x24: {  	s3 =	sadd.s32 $0x88, s3;
	s6 =	simm.s32 @!p1 $0x1082;
	[sflag:s4] =	ssyncset.s32 $0xFFFFF086  }
0x25: {  	[simem:s6], [sflag:s4] =	dma.local [hbm:s3], $0xF7A  }
0x26: {  	[smem:$0x3F9B] =	sst s1;
	(tag) =	ssettag s2;
	_ =	strace s9  }
0x27: {  	s1 =	sld [smem:$0x3FAB]  }
0x28: {  	s2 =	sld [smem:$0x3FAC]  }
0x29: {  	s4 =	sld [smem:$0x3FAE]  }
0x2a: {  	p0 =	seq.s32 s5, $0x0;
	s5 =	sld [smem:$0x3FAF]  }
0x2b: {  	s6 =	sld [smem:$0x3FB0]  }
0x2c: {  	s7 =	sld [smem:$0x3FB1]  }
0x2d: {  	s3 =	simm.s32 $0x108;
	s8 =	sld [smem:$0x3FB2]  }
0x2e: {  	s3 =	simm.s32 @!p0 $0x1082;
	s9 =	sld [smem:$0x3FB3]  }
0x2f: {  	lr =	sadd.s32 s0, s3;
	s0 =	sld [smem:$0x3FAA]  }
0x30: {  	s3 =	sld [smem:$0x3FAD]  }
0x31: {  	[smem:$0x3FB6] =	sst s10  }
0x32: {  	s10 =	sld [smem:$0x3FB4];
	_ =	sdelay $0x3  }
0x33: {  	p0 =	seq.s32 s10, $0x1;
	s10 =	sld [smem:$0x3FB6];
	_ =	sdelay $0x3  }
0x34: {  	[smem:$0x3FB6] =	sst s10  }
0x35: {  	s10 =	sld [smem:$0x3FB5];
	_ =	sdelay $0x3  }
0x36: {  	p1 =	seq.s32 s10, $0x1;
	s10 =	sld [smem:$0x3FB6];
	_ =	sdelay $0x3  }
0x37: {  	[smem:$0x3FB6] =	sst s10  }
0x38: {  	s10 =	sld [smem:$0x3FB7]  }
0x39: {  	_ = 	snop;
	(pc) =	sbr.ind lr, $3  }
0x3a: {  	_ = 	snop  }
0x3b: {  	_ = 	snop  }
0x3c: {  	p2 =	seq.s32 s10, $0x1;
	s10 =	sld [smem:$0x3FB6]  }
0x3d: {  	_ =	shalt  }
0x3e: {  	_ =	shalt  }
0x3f: {  	_ =	shalt  }
0x40: {  	_ =	shalt  }
0x41: {  	_ =	shalt  }
0x42: {  	_ =	shalt  }
0x43: {  	_ =	shalt  }
0x44: {  	_ =	shalt  }
0x45: {  	_ =	shalt  }
0x46: {  	_ =	shalt  }
0x47: {  	_ =	shalt  }
0x48: {  	_ =	shalt  }
0x49: {  	_ =	shalt  }
0x4a: {  	_ =	shalt  }
0x4b: {  	_ =	shalt  }
0x4c: {  	_ =	shalt  }
0x4d: {  	_ =	shalt  }
0x4e: {  	_ =	shalt  }
0x4f: {  	_ =	shalt  }
0x50: {  	_ =	shalt  }
0x51: {  	_ =	shalt  }
0x52: {  	_ =	shalt  }
0x53: {  	_ =	shalt  }
0x54: {  	_ =	shalt  }
0x55: {  	_ =	shalt  }
0x56: {  	_ =	shalt  }
0x57: {  	_ =	shalt  }
0x58: {  	_ =	shalt  }
0x59: {  	_ =	shalt  }
0x5a: {  	_ =	shalt  }
0x5b: {  	_ =	shalt  }
0x5c: {  	_ =	shalt  }
0x5d: {  	_ =	shalt  }
0x5e: {  	_ =	shalt  }
0x5f: {  	_ =	shalt  }
0x60: {  	_ =	shalt  }
0x61: {  	_ =	shalt  }
0x62: {  	_ =	shalt  }
0x63: {  	_ =	shalt  }
0x64: {  	_ =	shalt  }
0x65: {  	_ =	shalt  }
0x66: {  	_ =	shalt  }
0x67: {  	_ =	shalt  }
0x68: {  	_ =	shalt  }
0x69: {  	_ =	shalt  }
0x6a: {  	_ =	shalt  }
0x6b: {  	_ =	shalt  }
0x6c: {  	_ =	shalt  }
0x6d: {  	_ =	shalt  }
0x6e: {  	_ =	shalt  }
0x6f: {  	_ =	shalt  }
0x70: {  	_ =	shalt  }
0x71: {  	_ =	shalt  }
0x72: {  	_ =	shalt  }
0x73: {  	_ =	shalt  }
0x74: {  	_ =	shalt  }
0x75: {  	_ =	shalt  }
0x76: {  	_ =	shalt  }
0x77: {  	_ =	shalt  }
0x78: {  	_ =	shalt  }
0x79: {  	_ =	shalt  }
0x7a: {  	_ =	shalt  }
0x7b: {  	_ =	shalt  }
0x7c: {  	_ =	shalt  }
0x7d: {  	_ =	shalt  }
0x7e: {  	_ =	shalt  }
0x7f: {  	_ =	shalt  }
0x80: {  	_ =	shalt  }
0x81: {  	_ =	shalt  }
0x82: {  	_ =	shalt  }
0x83: {  	_ =	shalt  }
0x84: {  	_ =	shalt  }
0x85: {  	_ =	shalt  }
0x86: {  	_ =	shalt  }
0x87: {  	_ =	shalt  }
.Lfunc_end0:
.L_simem_size_0:
called_computation.1_lowered:
.L_overlay_start_0:
0x88: {  	s2 =	sld [smem:$0x3FD9]  }
0x89: {  	s3 =	sld [smem:$0x3FFE];
	_ =	sdelay $0x1  }
0x8a: {  	s1 =	srdreg.scid  }
0x8b: {  	s0 =	sand.u32 $0x1, s1  }
0x8c: {  	s17 =	sshll.u32 s0, $0xA;
	s2 =	sadd.s32 s3, s2  }
0x8d: {  	s2 =	sadd.s32 s2, s17  }
0x8e: {  	[smem:$0x3FC2] =	sst s2  }
0x8f: {  	_ = 	snop  }
0x90: {  	s2 =	sld [smem:$0x3FD0];
	(tm) =	ssettm $0x1  }
0x91: {  	s18 =	sld [smem:$0x3FFB];
	_ =	sdelay $0x3  }
0x92: {  	_ =	strace s18  }
0x93: {  	s3 =	sld [smem:$0x3FFC];
	_ =	sdelay $0x3  }
0x94: {  	_ =	strace s3  }
0x95: {  	s3 =	sld [smem:$0x3FFD];
	_ =	sdelay $0x3  }
0x96: {  	_ =	strace s3  }
0x97: {  	_ =	strace $0x8FFFFFFF  }
0x98: {  	s19 =	sld [smem:$0x3FDB];
	_ =	sdelay $0x1  }
0x99: {  	s4 =	simm.s32 $_scs_section_size  }
0x9a: {  	s5 =	simm.s32 $_size__tile_overlayer_lowered;
	s6 =	simm.s32 $_tile_overlayer_lowered  }
0x9b: {  	s22 =	simm.s32 $0x1BFF;
	s21 =	sshll.u32 s6, $0x1;
	s3 =	sadd.s32 s4, s19  }
0x9c: {  	s7 =	simm.s32 $0x0;
	s20 =	sshll.u32 s5, $0x1;
	s5 =	sadd.s32 s21, s3  }
0x9d: {  	[timem:s7], [sflag:s22] =	dma.local [hbm:s5], s20  }
0x9e: {  	_ =	swait.ge [sflag:s22], s20  }
0x9f: {  	s4 =	ssub.s32 $0x0, s20;
	[sflag:s22] =	ssyncset.done $0x0  }
0xa0: {  	[sflag:s22] =	ssyncadd.s32 s4;
	_ =	sdelay $0x1  }
0xa1: {  	s23 =	simm.s32 $0x1B8B  }
0xa2: {  	_ =	swait.ge [sflag:s23], $0x1  }
0xa3: {  	[sflag:s23] =	ssyncset.done $0x0  }
0xa4: {  	s25 =	simm.s32 $0x1B8E;
	s24 =	sld [smem:$0x3FFE];
	[sflag:s23] =	ssyncadd.s32 $0xFFFFFFFF  }
0xa5: {  	s26 =	simm.s32 $execute0_lowered;
	[smem:$0x3FD2] =	sst s25  }
0xa6: {  	s5 =	sshll.u32 s26, $0x1;
	_ =	strace $0x80000049;
	[dreg:$0x1] =	wrdreg $0xFFFFFFFF  }
0xa7: {  	s28 =	simm.s32 $_size_execute0_lowered;
	s3 =	sadd.s32 s3, s5;
	[dreg:$0x0] =	wrdreg $0x0  }
0xa8: {  	s5 =	sshll.u32 s28, $0x1;
	[dreg:$0x2] =	wrdreg s3  }
0xa9: {  	[dreg:$0x3] =	wrdreg s5  }
0xaa: {  	[dreg:$0x4] =	wrdreg $0xC0  }
0xab: {  	_ =	task [dreg:s7], $0x5FFFF  }
0xac: {  	[dreg:$0x1] =	wrdreg $0xFFFFFFFF  }
0xad: {  	[dreg:$0x0] =	wrdreg $0x60  }
0xae: {  	[dreg:$0x2] =	wrdreg s24  }
0xaf: {  	[dreg:$0x3] =	wrdreg s2  }
0xb0: {  	[dreg:$0x4] =	wrdreg $0x9  }
0xb1: {  	_ =	task.clear_ibuf [dreg:s7], $0x5FFFF;
	_ =	strace $0x90000049  }
0xb2: {  	s29 =	simm.s32 $0x9;
	_ =	strace $0x8000004B  }
0xb3: {  	_ =	swait.ge [sflag:s29], $0x1  }
0xb4: {  	[sflag:s29] =	ssyncadd.s32 $0xFFFFFFFF  }
0xb5: {  	_ =	strace $0x9000004B  }
0xb6: {  	_ =	sfence  }
0xb7: {  	s30 =	sld [smem:$0x0];
	_ =	sdelay $0x2  }
0xb8: {  	s31 =	sshll.u32 s1, $0xD;
	s1 =	sshrl.u32 s1, $0x2  }
0xb9: {  	s3 =	sand.u32 $0x4000, s31;
	s1 =	sadd.s32 s1, s30  }
0xba: {  	s0 =	sor.u32 s3, s0;
	s1 =	sshll.u32 s1, $0x11  }
0xbb: {  	s0 =	sor.u32 s1, s0  }
0xbc: {  	s0 =	sadd.s32 $0x8F2B, s0  }
0xbd: {  	[sflag:s0] =	ssyncadd.remote.s32 $0x1  }
0xbe: {  	_ =	sfence.sel $0xFFFF  }
0xbf: {  	[dreg:$0x0] =	wrdreg $0xFFFFFFFF;
	(pc) =	sbr.abs _section_cstart, $3  }
0xc0: {  	[dreg:$0x1] =	wrdreg $0xFFFFFFFF  }
0xc1: {  	_ =	task.clear_ibuf [dreg:s7], $0x2FFFF;
	_ =	strace $0x9FFFFFFF  }
0xc2: {  	(tm) =	ssettm $0x7FFFFFFF  }
0xc3: {  	_ =	shalt  }
tec
execute0_lowered:
.L_overlay_start_1:
0x0: {  	(tag) =	ssettag $0x1  }
0x1: {  	s0 =	rddreg [dreg:$0x0]  }
0x2: {  	s1 =	rddreg [dreg:$0x1];
	s3 =	srdreg.scid  }
0x3: {  	s2 =	simm.s32 $0x0;
	s5 =	stileid.u32;
	s10 =	simm.s32 $0x880  }
0x4: {  	s11 =	simm.s32 $0x1080;
	s12 =	simm.s32 $0x1880;
	s13 =	simm.s32 $0x2080  }
0x5: {  	s14 =	simm.s32 $0x2880;
	s15 =	simm.s32 $0x3080;
	s16 =	simm.s32 $0x3880  }
0x6: {  	s17 =	simm.s32 $0x4080;
	s18 =	simm.s32 $0x4880;
	s19 =	simm.s32 $0x5080  }
0x7: {  	s20 =	simm.s32 $0x5880;
	s21 =	simm.s32 $0x6080;
	s22 =	simm.s32 $0x6880  }
0x8: {  	s28 =	simm.s32 $0x9080;
	s29 =	simm.s32 $0x9880;
	s30 =	simm.s32 $0xA080  }
0x9: {  	s31 =	simm.s32 $0xA880;
	s4 =	sand.u32 $0x1, s3;
	[smem:$0x7FF] =	sst s2  }
0xa: {  	s23 =	sshll.u32 s5, $0x6;
	s3 =	sadd.s32 $0x1600, s0;
	s6 =	sadd.s32 $0x1200, s0  }
0xb: {  	s24 =	sshll.u32 s4, $0x5;
	_ =	strace $0x8000004A;
	s4 =	ssub.s32 $0x2, s4  }
0xc: {  	s5 =	sor.u32 s24, s23;
	s9 =	sshrl.u32 s4, $0x1;
	s23 =	simm.s32 $0x7080  }
0xd: {  	s24 =	simm.s32 $0x7880;
	s7 =	smul.u32 $0x300, s5;
	s8 =	sadd.s32 s6, s5  }
0xe: {  	s5 =	sor.u32 $0x10, s5;
	s26 =	ssub.s32 s4, s9;
	s4 =	sadd.s32 $0x1700, s0  }
0xf: {  	[dreg:$0x3] =	wrdreg s8;
	s25 =	smul.u32 $0x300, s5;
	s5 =	sadd.s32 s6, s5  }
0x10: {  	s6 =	smax.u32 s26, $0x1;
	s26 =	simm.s32 $0x8880;
	s8 =	simm.s32 $0xB880  }
0x11: {  	v2 =	vlaneseq.u32;
	s7 =	sadd.s32 s1, s7;
	[dreg:$0x5] =	wrdreg s5;
	s5 =	sadd.s32 $0x1800, s0  }
0x12: {  	vm0 =	vmmov $0xffff;
	v1 =	vshrl.u32 v2, $0x3;
	[dreg:$0x4] =	wrdreg s7;
	s1 =	sadd.s32 s1, s25;
	s7 =	simm.s32 $0x2  }
0x13: {  	v0 =	vand.u32 $0x7, v2;
	v2 =	vor.u32 $0x8, v2;
	v1 =	vmul.u32 $0x8, v1;
	s25 =	simm.s32 $0x8080;
	[dreg:$0x6] =	wrdreg s1;
	s1 =	simm.s32 $0x1  }
.LBB2_1:
0x14: {  	s9 =	rddreg [dreg:$0x3]  }
0x15: {  	[tilespmem:s2], [sflag:$0x2] =	stream.linear.gather [hbm4b:s9+s2], $0x80, $0x38;
	[tilespmem:$0x18080] =	vst v63  }
0x16: {  	_ =	swait.ge [sflag:s7], $0x80  }
0x17: {  	[sflag:s7] =	ssyncset.done $0x0  }
0x18: {  	[sflag:s7] =	ssyncadd.s32 $0xFFFFFF80  }
0x19: {  	v3 =	vld [tilespmem:$0x0];
	_ =	sdelay $0x4  }
0x1a: {  	v4 =	vshrl.u32 v3, $0x3  }
0x1b: {  	v4 =	vmul.u32 $0x30, v4  }
0x1c: {  	v3 =	vand.u32 $0x7, v3  }
0x1d: {  	v3 =	vor.u32 v3, v4  }
0x1e: {  	v4 =	vperm.xlane v3, v0;
	_ =	sdelay $0x1  }
0x1f: {  	v4 =	vadd.s32 v1, v4;
	_ =	sdelay $0x3  }
0x20: {  	s0 =	simm.s32 $0x80;
	v3 =	vperm.xlane v3, v2  }
0x21: {  	[tilespmem:s0], [sflag:$0x1] =	stream.indirect_vreg.gather [hbm4b:s3+s2], $0x80, v4, vm0, $0xb8;
	[tilespmem:$0x18080] =	vst v63  }
0x22: {  	v3 =	vadd.s32 v1, v3  }
0x23: {  	[tilespmem:s10], [sflag:$0x1] =	stream.indirect_vreg.gather [hbm4b:s4+s2], $0x80, v4, vm0, $0xb8;
	[tilespmem:$0x18080] =	vst v63  }
0x24: {  	_ = 	snop  }
0x25: {  	[tilespmem:s11], [sflag:$0x1] =	stream.indirect_vreg.gather [hbm4b:s5+s2], $0x80, v4, vm0, $0xb8;
	[tilespmem:$0x18080] =	vst v63  }
0x26: {  	_ = 	snop  }
0x27: {  	[tilespmem:s12], [sflag:$0x1] =	stream.indirect_vreg.gather [hbm4b:s3+s2], $0x80, v3, vm0, $0xb8;
	[tilespmem:$0x18080] =	vst v63  }
0x28: {  	_ = 	snop  }
0x29: {  	[tilespmem:s13], [sflag:$0x1] =	stream.indirect_vreg.gather [hbm4b:s4+s2], $0x80, v3, vm0, $0xb8;
	[tilespmem:$0x18080] =	vst v63  }
0x2a: {  	_ = 	snop  }
0x2b: {  	[tilespmem:s14], [sflag:$0x1] =	stream.indirect_vreg.gather [hbm4b:s5+s2], $0x80, v3, vm0, $0xb8;
	[tilespmem:$0x18080] =	vst v63  }
0x2c: {  	v3 =	vld [tilespmem:$0x10];
	_ =	sdelay $0x4  }
0x2d: {  	v49 =	vshrl.u32 v3, $0x3  }
0x2e: {  	v4 =	vmul.u32 $0x30, v49  }
0x2f: {  	v3 =	vand.u32 $0x7, v3  }
0x30: {  	v3 =	vor.u32 v3, v4  }
0x31: {  	v4 =	vperm.xlane v3, v0;
	_ =	sdelay $0x1  }
0x32: {  	v4 =	vadd.s32 v1, v4;
	_ =	sdelay $0x3  }
0x33: {  	v3 =	vperm.xlane v3, v2  }
0x34: {  	[tilespmem:s15], [sflag:$0x1] =	stream.indirect_vreg.gather [hbm4b:s3+s2], $0x80, v4, vm0, $0xb8;
	[tilespmem:$0x18080] =	vst v63  }
0x35: {  	v3 =	vadd.s32 v1, v3  }
0x36: {  	[tilespmem:s16], [sflag:$0x1] =	stream.indirect_vreg.gather [hbm4b:s4+s2], $0x80, v4, vm0, $0xb8;
	[tilespmem:$0x18080] =	vst v63  }
0x37: {  	_ = 	snop  }
0x38: {  	[tilespmem:s17], [sflag:$0x1] =	stream.indirect_vreg.gather [hbm4b:s5+s2], $0x80, v4, vm0, $0xb8;
	[tilespmem:$0x18080] =	vst v63  }
0x39: {  	_ = 	snop  }
0x3a: {  	[tilespmem:s18], [sflag:$0x1] =	stream.indirect_vreg.gather [hbm4b:s3+s2], $0x80, v3, vm0, $0xb8;
	[tilespmem:$0x18080] =	vst v63  }
0x3b: {  	_ = 	snop  }
0x3c: {  	[tilespmem:s19], [sflag:$0x1] =	stream.indirect_vreg.gather [hbm4b:s4+s2], $0x80, v3, vm0, $0xb8;
	[tilespmem:$0x18080] =	vst v63  }
0x3d: {  	_ = 	snop  }
0x3e: {  	[tilespmem:s20], [sflag:$0x1] =	stream.indirect_vreg.gather [hbm4b:s5+s2], $0x80, v3, vm0, $0xb8;
	[tilespmem:$0x18080] =	vst v63  }
0x3f: {  	v3 =	vld [tilespmem:$0x20];
	_ =	sdelay $0x4  }
0x40: {  	v50 =	vshrl.u32 v3, $0x3  }
0x41: {  	v4 =	vmul.u32 $0x30, v50  }
0x42: {  	v3 =	vand.u32 $0x7, v3  }
0x43: {  	v3 =	vor.u32 v3, v4  }
0x44: {  	v4 =	vperm.xlane v3, v0;
	_ =	sdelay $0x1  }
0x45: {  	v4 =	vadd.s32 v1, v4;
	_ =	sdelay $0x3  }
0x46: {  	v3 =	vperm.xlane v3, v2  }
0x47: {  	[tilespmem:s21], [sflag:$0x1] =	stream.indirect_vreg.gather [hbm4b:s3+s2], $0x80, v4, vm0, $0xb8;
	[tilespmem:$0x18080] =	vst v63  }
0x48: {  	v3 =	vadd.s32 v1, v3  }
0x49: {  	[tilespmem:s22], [sflag:$0x1] =	stream.indirect_vreg.gather [hbm4b:s4+s2], $0x80, v4, vm0, $0xb8;
	[tilespmem:$0x18080] =	vst v63  }
0x4a: {  	_ = 	snop  }
0x4b: {  	[tilespmem:s23], [sflag:$0x1] =	stream.indirect_vreg.gather [hbm4b:s5+s2], $0x80, v4, vm0, $0xb8;
	[tilespmem:$0x18080] =	vst v63  }
0x4c: {  	_ = 	snop  }
0x4d: {  	[tilespmem:s24], [sflag:$0x1] =	stream.indirect_vreg.gather [hbm4b:s3+s2], $0x80, v3, vm0, $0xb8;
	[tilespmem:$0x18080] =	vst v63  }
0x4e: {  	_ = 	snop  }
0x4f: {  	[tilespmem:s25], [sflag:$0x1] =	stream.indirect_vreg.gather [hbm4b:s4+s2], $0x80, v3, vm0, $0xb8;
	[tilespmem:$0x18080] =	vst v63  }
0x50: {  	_ = 	snop  }
0x51: {  	[tilespmem:s26], [sflag:$0x1] =	stream.indirect_vreg.gather [hbm4b:s5+s2], $0x80, v3, vm0, $0xb8;
	[tilespmem:$0x18080] =	vst v63  }
0x52: {  	v3 =	vld [tilespmem:$0x30];
	_ =	sdelay $0x4  }
0x53: {  	v51 =	vshrl.u32 v3, $0x3  }
0x54: {  	v4 =	vmul.u32 $0x30, v51  }
0x55: {  	v3 =	vand.u32 $0x7, v3  }
0x56: {  	v3 =	vor.u32 v3, v4  }
0x57: {  	v4 =	vperm.xlane v3, v0;
	_ =	sdelay $0x1  }
0x58: {  	v4 =	vadd.s32 v1, v4;
	_ =	sdelay $0x3  }
0x59: {  	v3 =	vperm.xlane v3, v2  }
0x5a: {  	[tilespmem:s28], [sflag:$0x1] =	stream.indirect_vreg.gather [hbm4b:s3+s2], $0x80, v4, vm0, $0xb8;
	[tilespmem:$0x18080] =	vst v63  }
0x5b: {  	v3 =	vadd.s32 v1, v3  }
0x5c: {  	[tilespmem:s29], [sflag:$0x1] =	stream.indirect_vreg.gather [hbm4b:s4+s2], $0x80, v4, vm0, $0xb8;
	[tilespmem:$0x18080] =	vst v63  }
0x5d: {  	_ = 	snop  }
0x5e: {  	[tilespmem:s30], [sflag:$0x1] =	stream.indirect_vreg.gather [hbm4b:s5+s2], $0x80, v4, vm0, $0xb8;
	[tilespmem:$0x18080] =	vst v63  }
0x5f: {  	_ = 	snop  }
0x60: {  	[tilespmem:s31], [sflag:$0x1] =	stream.indirect_vreg.gather [hbm4b:s3+s2], $0x80, v3, vm0, $0xb8;
	[tilespmem:$0x18080] =	vst v63  }
0x61: {  	s9 =	simm.s32 $0xB080  }
0x62: {  	[tilespmem:s9], [sflag:$0x1] =	stream.indirect_vreg.gather [hbm4b:s4+s2], $0x80, v3, vm0, $0xb8;
	[tilespmem:$0x18080] =	vst v63  }
0x63: {  	_ = 	snop  }
0x64: {  	[tilespmem:s8], [sflag:$0x1] =	stream.indirect_vreg.gather [hbm4b:s5+s2], $0x80, v3, vm0, $0xb8;
	[tilespmem:$0x18080] =	vst v63  }
0x65: {  	v3 =	vld [tilespmem:$0x40];
	_ =	sdelay $0x4  }
0x66: {  	v52 =	vshrl.u32 v3, $0x3  }
0x67: {  	v4 =	vmul.u32 $0x30, v52  }
0x68: {  	v3 =	vand.u32 $0x7, v3  }
0x69: {  	v3 =	vor.u32 v3, v4  }
0x6a: {  	v4 =	vperm.xlane v3, v0;
	_ =	sdelay $0x1  }
0x6b: {  	v4 =	vadd.s32 v1, v4;
	_ =	sdelay $0x3  }
0x6c: {  	s9 =	simm.s32 $0xC080;
	v3 =	vperm.xlane v3, v2  }
0x6d: {  	[tilespmem:s9], [sflag:$0x1] =	stream.indirect_vreg.gather [hbm4b:s3+s2], $0x80, v4, vm0, $0xb8;
	[tilespmem:$0x18080] =	vst v63  }
0x6e: {  	v3 =	vadd.s32 v1, v3;
	s9 =	simm.s32 $0xC880  }
0x6f: {  	[tilespmem:s9], [sflag:$0x1] =	stream.indirect_vreg.gather [hbm4b:s4+s2], $0x80, v4, vm0, $0xb8;
	[tilespmem:$0x18080] =	vst v63  }
0x70: {  	s9 =	simm.s32 $0xD080  }
0x71: {  	[tilespmem:s9], [sflag:$0x1] =	stream.indirect_vreg.gather [hbm4b:s5+s2], $0x80, v4, vm0, $0xb8;
	[tilespmem:$0x18080] =	vst v63  }
0x72: {  	s9 =	simm.s32 $0xD880  }
0x73: {  	[tilespmem:s9], [sflag:$0x1] =	stream.indirect_vreg.gather [hbm4b:s3+s2], $0x80, v3, vm0, $0xb8;
	[tilespmem:$0x18080] =	vst v63  }
0x74: {  	s9 =	simm.s32 $0xE080  }
0x75: {  	[tilespmem:s9], [sflag:$0x1] =	stream.indirect_vreg.gather [hbm4b:s4+s2], $0x80, v3, vm0, $0xb8;
	[tilespmem:$0x18080] =	vst v63  }
0x76: {  	s9 =	simm.s32 $0xE880  }
0x77: {  	[tilespmem:s9], [sflag:$0x1] =	stream.indirect_vreg.gather [hbm4b:s5+s2], $0x80, v3, vm0, $0xb8;
	[tilespmem:$0x18080] =	vst v63  }
0x78: {  	v3 =	vld [tilespmem:$0x50];
	_ =	sdelay $0x4  }
0x79: {  	v53 =	vshrl.u32 v3, $0x3  }
0x7a: {  	v4 =	vmul.u32 $0x30, v53  }
0x7b: {  	v3 =	vand.u32 $0x7, v3  }
0x7c: {  	v3 =	vor.u32 v3, v4  }
0x7d: {  	v4 =	vperm.xlane v3, v0;
	_ =	sdelay $0x1  }
0x7e: {  	v4 =	vadd.s32 v1, v4;
	_ =	sdelay $0x3  }
0x7f: {  	s9 =	simm.s32 $0xF080;
	v3 =	vperm.xlane v3, v2  }
0x80: {  	[tilespmem:s9], [sflag:$0x1] =	stream.indirect_vreg.gather [hbm4b:s3+s2], $0x80, v4, vm0, $0xb8;
	[tilespmem:$0x18080] =	vst v63  }
0x81: {  	v3 =	vadd.s32 v1, v3;
	s9 =	simm.s32 $0xF880  }
0x82: {  	[tilespmem:s9], [sflag:$0x1] =	stream.indirect_vreg.gather [hbm4b:s4+s2], $0x80, v4, vm0, $0xb8;
	[tilespmem:$0x18080] =	vst v63  }
0x83: {  	s9 =	simm.s32 $0x10080  }
0x84: {  	[tilespmem:s9], [sflag:$0x1] =	stream.indirect_vreg.gather [hbm4b:s5+s2], $0x80, v4, vm0, $0xb8;
	[tilespmem:$0x18080] =	vst v63  }
0x85: {  	s9 =	simm.s32 $0x10880  }
0x86: {  	[tilespmem:s9], [sflag:$0x1] =	stream.indirect_vreg.gather [hbm4b:s3+s2], $0x80, v3, vm0, $0xb8;
	[tilespmem:$0x18080] =	vst v63  }
0x87: {  	s9 =	simm.s32 $0x11080  }
0x88: {  	[tilespmem:s9], [sflag:$0x1] =	stream.indirect_vreg.gather [hbm4b:s4+s2], $0x80, v3, vm0, $0xb8;
	[tilespmem:$0x18080] =	vst v63  }
0x89: {  	s9 =	simm.s32 $0x11880  }
0x8a: {  	[tilespmem:s9], [sflag:$0x1] =	stream.indirect_vreg.gather [hbm4b:s5+s2], $0x80, v3, vm0, $0xb8;
	[tilespmem:$0x18080] =	vst v63  }
0x8b: {  	v3 =	vld [tilespmem:$0x60];
	_ =	sdelay $0x4  }
0x8c: {  	v54 =	vshrl.u32 v3, $0x3  }
0x8d: {  	v4 =	vmul.u32 $0x30, v54  }
0x8e: {  	v3 =	vand.u32 $0x7, v3  }
0x8f: {  	v3 =	vor.u32 v3, v4  }
0x90: {  	v4 =	vperm.xlane v3, v0;
	_ =	sdelay $0x1  }
0x91: {  	v4 =	vadd.s32 v1, v4;
	_ =	sdelay $0x3  }
0x92: {  	s9 =	simm.s32 $0x12080;
	v3 =	vperm.xlane v3, v2  }
0x93: {  	[tilespmem:s9], [sflag:$0x1] =	stream.indirect_vreg.gather [hbm4b:s3+s2], $0x80, v4, vm0, $0xb8;
	[tilespmem:$0x18080] =	vst v63  }
0x94: {  	v3 =	vadd.s32 v1, v3;
	s9 =	simm.s32 $0x12880  }
0x95: {  	[tilespmem:s9], [sflag:$0x1] =	stream.indirect_vreg.gather [hbm4b:s4+s2], $0x80, v4, vm0, $0xb8;
	[tilespmem:$0x18080] =	vst v63  }
0x96: {  	s9 =	simm.s32 $0x13080  }
0x97: {  	[tilespmem:s9], [sflag:$0x1] =	stream.indirect_vreg.gather [hbm4b:s5+s2], $0x80, v4, vm0, $0xb8;
	[tilespmem:$0x18080] =	vst v63  }
0x98: {  	s9 =	simm.s32 $0x13880  }
0x99: {  	[tilespmem:s9], [sflag:$0x1] =	stream.indirect_vreg.gather [hbm4b:s3+s2], $0x80, v3, vm0, $0xb8;
	[tilespmem:$0x18080] =	vst v63  }
0x9a: {  	s9 =	simm.s32 $0x14080  }
0x9b: {  	[tilespmem:s9], [sflag:$0x1] =	stream.indirect_vreg.gather [hbm4b:s4+s2], $0x80, v3, vm0, $0xb8;
	[tilespmem:$0x18080] =	vst v63  }
0x9c: {  	s9 =	simm.s32 $0x14880  }
0x9d: {  	[tilespmem:s9], [sflag:$0x1] =	stream.indirect_vreg.gather [hbm4b:s5+s2], $0x80, v3, vm0, $0xb8;
	[tilespmem:$0x18080] =	vst v63  }
0x9e: {  	v3 =	vld [tilespmem:$0x70];
	_ =	sdelay $0x4  }
0x9f: {  	v55 =	vshrl.u32 v3, $0x3  }
0xa0: {  	v4 =	vmul.u32 $0x30, v55  }
0xa1: {  	v3 =	vand.u32 $0x7, v3  }
0xa2: {  	v3 =	vor.u32 v3, v4  }
0xa3: {  	v4 =	vperm.xlane v3, v0;
	_ =	sdelay $0x1  }
0xa4: {  	v4 =	vadd.s32 v1, v4;
	_ =	sdelay $0x3  }
0xa5: {  	s9 =	simm.s32 $0x15080;
	v3 =	vperm.xlane v3, v2  }
0xa6: {  	[tilespmem:s9], [sflag:$0x1] =	stream.indirect_vreg.gather [hbm4b:s3+s2], $0x80, v4, vm0, $0xb8;
	[tilespmem:$0x18080] =	vst v63  }
0xa7: {  	v3 =	vadd.s32 v1, v3;
	s9 =	simm.s32 $0x15880  }
0xa8: {  	[tilespmem:s9], [sflag:$0x1] =	stream.indirect_vreg.gather [hbm4b:s4+s2], $0x80, v4, vm0, $0xb8;
	[tilespmem:$0x18080] =	vst v63  }
0xa9: {  	s9 =	simm.s32 $0x16080  }
0xaa: {  	[tilespmem:s9], [sflag:$0x1] =	stream.indirect_vreg.gather [hbm4b:s5+s2], $0x80, v4, vm0, $0xb8;
	[tilespmem:$0x18080] =	vst v63  }
0xab: {  	s9 =	simm.s32 $0x16880  }
0xac: {  	[tilespmem:s9], [sflag:$0x1] =	stream.indirect_vreg.gather [hbm4b:s3+s2], $0x80, v3, vm0, $0xb8;
	[tilespmem:$0x18080] =	vst v63  }
0xad: {  	s9 =	simm.s32 $0x17080  }
0xae: {  	[tilespmem:s9], [sflag:$0x1] =	stream.indirect_vreg.gather [hbm4b:s4+s2], $0x80, v3, vm0, $0xb8;
	[tilespmem:$0x18080] =	vst v63  }
0xaf: {  	s9 =	simm.s32 $0x17880  }
0xb0: {  	[tilespmem:s9], [sflag:$0x1] =	stream.indirect_vreg.gather [hbm4b:s5+s2], $0x80, v3, vm0, $0xb8;
	[tilespmem:$0x18080] =	vst v63  }
0xb1: {  	_ =	swait.ge [sflag:s1], $0x18000  }
0xb2: {  	[sflag:s1] =	ssyncset.done $0x0  }
0xb3: {  	s0 =	simm.s32 $0x80;
	s9 =	rddreg [dreg:$0x4];
	[sflag:s1] =	ssyncadd.s32 $0xFFFE8000  }
0xb4: {  	[hbm4b:s9+s2] =	stream.linear.scatter [tilespmem:s0], [sflag:$0x2], $0x18000, $0x38;
	[tilespmem:$0x18080] =	vst v63  }
0xb5: {  	_ =	swait.ge [sflag:s7], $0x18000  }
0xb6: {  	[sflag:s7] =	ssyncset.done $0x0  }
0xb7: {  	s9 =	rddreg [dreg:$0x5];
	[sflag:s7] =	ssyncadd.s32 $0xFFFE8000  }
0xb8: {  	[tilespmem:s2], [sflag:$0x2] =	stream.linear.gather [hbm4b:s9+s2], $0x80, $0x38;
	[tilespmem:$0x18080] =	vst v63  }
0xb9: {  	_ =	swait.ge [sflag:s7], $0x80  }
0xba: {  	[sflag:s7] =	ssyncset.done $0x0  }
0xbb: {  	[sflag:s7] =	ssyncadd.s32 $0xFFFFFF80  }
0xbc: {  	v3 =	vld [tilespmem:$0x0];
	_ =	sdelay $0x4  }
0xbd: {  	v56 =	vshrl.u32 v3, $0x3  }
0xbe: {  	v4 =	vmul.u32 $0x30, v56  }
0xbf: {  	v3 =	vand.u32 $0x7, v3  }
0xc0: {  	v3 =	vor.u32 v3, v4  }
0xc1: {  	v4 =	vperm.xlane v3, v0;
	_ =	sdelay $0x1  }
0xc2: {  	v4 =	vadd.s32 v1, v4;
	_ =	sdelay $0x3  }
0xc3: {  	v3 =	vperm.xlane v3, v2  }
0xc4: {  	[tilespmem:s0], [sflag:$0x1] =	stream.indirect_vreg.gather [hbm4b:s3+s2], $0x80, v4, vm0, $0xb8;
	[tilespmem:$0x18080] =	vst v63  }
0xc5: {  	v3 =	vadd.s32 v1, v3  }
0xc6: {  	[tilespmem:s10], [sflag:$0x1] =	stream.indirect_vreg.gather [hbm4b:s4+s2], $0x80, v4, vm0, $0xb8;
	[tilespmem:$0x18080] =	vst v63  }
0xc7: {  	_ = 	snop  }
0xc8: {  	[tilespmem:s11], [sflag:$0x1] =	stream.indirect_vreg.gather [hbm4b:s5+s2], $0x80, v4, vm0, $0xb8;
	[tilespmem:$0x18080] =	vst v63  }
0xc9: {  	_ = 	snop  }
0xca: {  	[tilespmem:s12], [sflag:$0x1] =	stream.indirect_vreg.gather [hbm4b:s3+s2], $0x80, v3, vm0, $0xb8;
	[tilespmem:$0x18080] =	vst v63  }
0xcb: {  	_ = 	snop  }
0xcc: {  	[tilespmem:s13], [sflag:$0x1] =	stream.indirect_vreg.gather [hbm4b:s4+s2], $0x80, v3, vm0, $0xb8;
	[tilespmem:$0x18080] =	vst v63  }
0xcd: {  	_ = 	snop  }
0xce: {  	[tilespmem:s14], [sflag:$0x1] =	stream.indirect_vreg.gather [hbm4b:s5+s2], $0x80, v3, vm0, $0xb8;
	[tilespmem:$0x18080] =	vst v63  }
0xcf: {  	v3 =	vld [tilespmem:$0x10];
	_ =	sdelay $0x4  }
0xd0: {  	v57 =	vshrl.u32 v3, $0x3  }
0xd1: {  	v4 =	vmul.u32 $0x30, v57  }
0xd2: {  	v3 =	vand.u32 $0x7, v3  }
0xd3: {  	v3 =	vor.u32 v3, v4  }
0xd4: {  	v4 =	vperm.xlane v3, v0;
	_ =	sdelay $0x1  }
0xd5: {  	v4 =	vadd.s32 v1, v4;
	_ =	sdelay $0x3  }
0xd6: {  	v3 =	vperm.xlane v3, v2  }
0xd7: {  	[tilespmem:s15], [sflag:$0x1] =	stream.indirect_vreg.gather [hbm4b:s3+s2], $0x80, v4, vm0, $0xb8;
	[tilespmem:$0x18080] =	vst v63  }
0xd8: {  	v3 =	vadd.s32 v1, v3  }
0xd9: {  	[tilespmem:s16], [sflag:$0x1] =	stream.indirect_vreg.gather [hbm4b:s4+s2], $0x80, v4, vm0, $0xb8;
	[tilespmem:$0x18080] =	vst v63  }
0xda: {  	_ = 	snop  }
0xdb: {  	[tilespmem:s17], [sflag:$0x1] =	stream.indirect_vreg.gather [hbm4b:s5+s2], $0x80, v4, vm0, $0xb8;
	[tilespmem:$0x18080] =	vst v63  }
0xdc: {  	_ = 	snop  }
0xdd: {  	[tilespmem:s18], [sflag:$0x1] =	stream.indirect_vreg.gather [hbm4b:s3+s2], $0x80, v3, vm0, $0xb8;
	[tilespmem:$0x18080] =	vst v63  }
0xde: {  	_ = 	snop  }
0xdf: {  	[tilespmem:s19], [sflag:$0x1] =	stream.indirect_vreg.gather [hbm4b:s4+s2], $0x80, v3, vm0, $0xb8;
	[tilespmem:$0x18080] =	vst v63  }
0xe0: {  	_ = 	snop  }
0xe1: {  	[tilespmem:s20], [sflag:$0x1] =	stream.indirect_vreg.gather [hbm4b:s5+s2], $0x80, v3, vm0, $0xb8;
	[tilespmem:$0x18080] =	vst v63  }
0xe2: {  	v3 =	vld [tilespmem:$0x20];
	_ =	sdelay $0x4  }
0xe3: {  	v58 =	vshrl.u32 v3, $0x3  }
0xe4: {  	v4 =	vmul.u32 $0x30, v58  }
0xe5: {  	v3 =	vand.u32 $0x7, v3  }
0xe6: {  	v3 =	vor.u32 v3, v4  }
0xe7: {  	v4 =	vperm.xlane v3, v0;
	_ =	sdelay $0x1  }
0xe8: {  	v4 =	vadd.s32 v1, v4;
	_ =	sdelay $0x3  }
0xe9: {  	v3 =	vperm.xlane v3, v2  }
0xea: {  	[tilespmem:s21], [sflag:$0x1] =	stream.indirect_vreg.gather [hbm4b:s3+s2], $0x80, v4, vm0, $0xb8;
	[tilespmem:$0x18080] =	vst v63  }
0xeb: {  	v3 =	vadd.s32 v1, v3  }
0xec: {  	[tilespmem:s22], [sflag:$0x1] =	stream.indirect_vreg.gather [hbm4b:s4+s2], $0x80, v4, vm0, $0xb8;
	[tilespmem:$0x18080] =	vst v63  }
0xed: {  	_ = 	snop  }
0xee: {  	[tilespmem:s23], [sflag:$0x1] =	stream.indirect_vreg.gather [hbm4b:s5+s2], $0x80, v4, vm0, $0xb8;
	[tilespmem:$0x18080] =	vst v63  }
0xef: {  	_ = 	snop  }
0xf0: {  	[tilespmem:s24], [sflag:$0x1] =	stream.indirect_vreg.gather [hbm4b:s3+s2], $0x80, v3, vm0, $0xb8;
	[tilespmem:$0x18080] =	vst v63  }
0xf1: {  	_ = 	snop  }
0xf2: {  	[tilespmem:s25], [sflag:$0x1] =	stream.indirect_vreg.gather [hbm4b:s4+s2], $0x80, v3, vm0, $0xb8;
	[tilespmem:$0x18080] =	vst v63  }
0xf3: {  	_ = 	snop  }
0xf4: {  	[tilespmem:s26], [sflag:$0x1] =	stream.indirect_vreg.gather [hbm4b:s5+s2], $0x80, v3, vm0, $0xb8;
	[tilespmem:$0x18080] =	vst v63  }
0xf5: {  	v3 =	vld [tilespmem:$0x30];
	_ =	sdelay $0x4  }
0xf6: {  	v59 =	vshrl.u32 v3, $0x3  }
0xf7: {  	v4 =	vmul.u32 $0x30, v59  }
0xf8: {  	v3 =	vand.u32 $0x7, v3  }
0xf9: {  	v3 =	vor.u32 v3, v4  }
0xfa: {  	v4 =	vperm.xlane v3, v0;
	_ =	sdelay $0x1  }
0xfb: {  	v4 =	vadd.s32 v1, v4;
	_ =	sdelay $0x3  }
0xfc: {  	v3 =	vperm.xlane v3, v2  }
0xfd: {  	[tilespmem:s28], [sflag:$0x1] =	stream.indirect_vreg.gather [hbm4b:s3+s2], $0x80, v4, vm0, $0xb8;
	[tilespmem:$0x18080] =	vst v63  }
0xfe: {  	v3 =	vadd.s32 v1, v3  }
0xff: {  	[tilespmem:s29], [sflag:$0x1] =	stream.indirect_vreg.gather [hbm4b:s4+s2], $0x80, v4, vm0, $0xb8;
	[tilespmem:$0x18080] =	vst v63  }
0x100: {  	_ = 	snop  }
0x101: {  	[tilespmem:s30], [sflag:$0x1] =	stream.indirect_vreg.gather [hbm4b:s5+s2], $0x80, v4, vm0, $0xb8;
	[tilespmem:$0x18080] =	vst v63  }
0x102: {  	_ = 	snop  }
0x103: {  	[tilespmem:s31], [sflag:$0x1] =	stream.indirect_vreg.gather [hbm4b:s3+s2], $0x80, v3, vm0, $0xb8;
	[tilespmem:$0x18080] =	vst v63  }
0x104: {  	s9 =	simm.s32 $0xB080  }
0x105: {  	[tilespmem:s9], [sflag:$0x1] =	stream.indirect_vreg.gather [hbm4b:s4+s2], $0x80, v3, vm0, $0xb8;
	[tilespmem:$0x18080] =	vst v63  }
0x106: {  	_ = 	snop  }
0x107: {  	[tilespmem:s8], [sflag:$0x1] =	stream.indirect_vreg.gather [hbm4b:s5+s2], $0x80, v3, vm0, $0xb8;
	[tilespmem:$0x18080] =	vst v63  }
0x108: {  	v3 =	vld [tilespmem:$0x40];
	_ =	sdelay $0x4  }
0x109: {  	v60 =	vshrl.u32 v3, $0x3  }
0x10a: {  	v4 =	vmul.u32 $0x30, v60  }
0x10b: {  	v3 =	vand.u32 $0x7, v3  }
0x10c: {  	v3 =	vor.u32 v3, v4  }
0x10d: {  	v4 =	vperm.xlane v3, v0;
	_ =	sdelay $0x1  }
0x10e: {  	v4 =	vadd.s32 v1, v4;
	_ =	sdelay $0x3  }
0x10f: {  	s9 =	simm.s32 $0xC080;
	v3 =	vperm.xlane v3, v2  }
0x110: {  	[tilespmem:s9], [sflag:$0x1] =	stream.indirect_vreg.gather [hbm4b:s3+s2], $0x80, v4, vm0, $0xb8;
	[tilespmem:$0x18080] =	vst v63  }
0x111: {  	v3 =	vadd.s32 v1, v3;
	s9 =	simm.s32 $0xC880  }
0x112: {  	[tilespmem:s9], [sflag:$0x1] =	stream.indirect_vreg.gather [hbm4b:s4+s2], $0x80, v4, vm0, $0xb8;
	[tilespmem:$0x18080] =	vst v63  }
0x113: {  	s9 =	simm.s32 $0xD080  }
0x114: {  	[tilespmem:s9], [sflag:$0x1] =	stream.indirect_vreg.gather [hbm4b:s5+s2], $0x80, v4, vm0, $0xb8;
	[tilespmem:$0x18080] =	vst v63  }
0x115: {  	s9 =	simm.s32 $0xD880  }
0x116: {  	[tilespmem:s9], [sflag:$0x1] =	stream.indirect_vreg.gather [hbm4b:s3+s2], $0x80, v3, vm0, $0xb8;
	[tilespmem:$0x18080] =	vst v63  }
0x117: {  	s9 =	simm.s32 $0xE080  }
0x118: {  	[tilespmem:s9], [sflag:$0x1] =	stream.indirect_vreg.gather [hbm4b:s4+s2], $0x80, v3, vm0, $0xb8;
	[tilespmem:$0x18080] =	vst v63  }
0x119: {  	s9 =	simm.s32 $0xE880  }
0x11a: {  	[tilespmem:s9], [sflag:$0x1] =	stream.indirect_vreg.gather [hbm4b:s5+s2], $0x80, v3, vm0, $0xb8;
	[tilespmem:$0x18080] =	vst v63  }
0x11b: {  	v3 =	vld [tilespmem:$0x50];
	_ =	sdelay $0x4  }
0x11c: {  	v61 =	vshrl.u32 v3, $0x3  }
0x11d: {  	v4 =	vmul.u32 $0x30, v61  }
0x11e: {  	v3 =	vand.u32 $0x7, v3  }
0x11f: {  	v3 =	vor.u32 v3, v4  }
0x120: {  	v4 =	vperm.xlane v3, v0;
	_ =	sdelay $0x1  }
0x121: {  	v4 =	vadd.s32 v1, v4;
	_ =	sdelay $0x3  }
0x122: {  	s9 =	simm.s32 $0xF080;
	v3 =	vperm.xlane v3, v2  }
0x123: {  	[tilespmem:s9], [sflag:$0x1] =	stream.indirect_vreg.gather [hbm4b:s3+s2], $0x80, v4, vm0, $0xb8;
	[tilespmem:$0x18080] =	vst v63  }
0x124: {  	v3 =	vadd.s32 v1, v3;
	s9 =	simm.s32 $0xF880  }
0x125: {  	[tilespmem:s9], [sflag:$0x1] =	stream.indirect_vreg.gather [hbm4b:s4+s2], $0x80, v4, vm0, $0xb8;
	[tilespmem:$0x18080] =	vst v63  }
0x126: {  	s9 =	simm.s32 $0x10080  }
0x127: {  	[tilespmem:s9], [sflag:$0x1] =	stream.indirect_vreg.gather [hbm4b:s5+s2], $0x80, v4, vm0, $0xb8;
	[tilespmem:$0x18080] =	vst v63  }
0x128: {  	s9 =	simm.s32 $0x10880  }
0x129: {  	[tilespmem:s9], [sflag:$0x1] =	stream.indirect_vreg.gather [hbm4b:s3+s2], $0x80, v3, vm0, $0xb8;
	[tilespmem:$0x18080] =	vst v63  }
0x12a: {  	s9 =	simm.s32 $0x11080  }
0x12b: {  	[tilespmem:s9], [sflag:$0x1] =	stream.indirect_vreg.gather [hbm4b:s4+s2], $0x80, v3, vm0, $0xb8;
	[tilespmem:$0x18080] =	vst v63  }
0x12c: {  	s9 =	simm.s32 $0x11880  }
0x12d: {  	[tilespmem:s9], [sflag:$0x1] =	stream.indirect_vreg.gather [hbm4b:s5+s2], $0x80, v3, vm0, $0xb8;
	[tilespmem:$0x18080] =	vst v63  }
0x12e: {  	v3 =	vld [tilespmem:$0x60];
	_ =	sdelay $0x4  }
0x12f: {  	v62 =	vshrl.u32 v3, $0x3  }
0x130: {  	v4 =	vmul.u32 $0x30, v62  }
0x131: {  	v3 =	vand.u32 $0x7, v3  }
0x132: {  	v3 =	vor.u32 v3, v4  }
0x133: {  	v4 =	vperm.xlane v3, v0;
	_ =	sdelay $0x1  }
0x134: {  	v4 =	vadd.s32 v1, v4;
	_ =	sdelay $0x3  }
0x135: {  	s9 =	simm.s32 $0x12080;
	v3 =	vperm.xlane v3, v2  }
0x136: {  	[tilespmem:s9], [sflag:$0x1] =	stream.indirect_vreg.gather [hbm4b:s3+s2], $0x80, v4, vm0, $0xb8;
	[tilespmem:$0x18080] =	vst v63  }
0x137: {  	v3 =	vadd.s32 v1, v3;
	s9 =	simm.s32 $0x12880  }
0x138: {  	[tilespmem:s9], [sflag:$0x1] =	stream.indirect_vreg.gather [hbm4b:s4+s2], $0x80, v4, vm0, $0xb8;
	[tilespmem:$0x18080] =	vst v63  }
0x139: {  	s9 =	simm.s32 $0x13080  }
0x13a: {  	[tilespmem:s9], [sflag:$0x1] =	stream.indirect_vreg.gather [hbm4b:s5+s2], $0x80, v4, vm0, $0xb8;
	[tilespmem:$0x18080] =	vst v63  }
0x13b: {  	s9 =	simm.s32 $0x13880  }
0x13c: {  	[tilespmem:s9], [sflag:$0x1] =	stream.indirect_vreg.gather [hbm4b:s3+s2], $0x80, v3, vm0, $0xb8;
	[tilespmem:$0x18080] =	vst v63  }
0x13d: {  	s9 =	simm.s32 $0x14080  }
0x13e: {  	[tilespmem:s9], [sflag:$0x1] =	stream.indirect_vreg.gather [hbm4b:s4+s2], $0x80, v3, vm0, $0xb8;
	[tilespmem:$0x18080] =	vst v63  }
0x13f: {  	s9 =	simm.s32 $0x14880  }
0x140: {  	[tilespmem:s9], [sflag:$0x1] =	stream.indirect_vreg.gather [hbm4b:s5+s2], $0x80, v3, vm0, $0xb8;
	[tilespmem:$0x18080] =	vst v63  }
0x141: {  	v3 =	vld [tilespmem:$0x70];
	_ =	sdelay $0x4  }
0x142: {  	v63 =	vshrl.u32 v3, $0x3  }
0x143: {  	v4 =	vmul.u32 $0x30, v63  }
0x144: {  	v3 =	vand.u32 $0x7, v3  }
0x145: {  	v3 =	vor.u32 v3, v4  }
0x146: {  	v4 =	vperm.xlane v3, v0;
	_ =	sdelay $0x1  }
0x147: {  	v4 =	vadd.s32 v1, v4;
	_ =	sdelay $0x3  }
0x148: {  	s9 =	simm.s32 $0x15080;
	v3 =	vperm.xlane v3, v2  }
0x149: {  	[tilespmem:s9], [sflag:$0x1] =	stream.indirect_vreg.gather [hbm4b:s3+s2], $0x80, v4, vm0, $0xb8;
	[tilespmem:$0x18080] =	vst v63  }
0x14a: {  	v3 =	vadd.s32 v1, v3;
	s9 =	simm.s32 $0x15880  }
0x14b: {  	[tilespmem:s9], [sflag:$0x1] =	stream.indirect_vreg.gather [hbm4b:s4+s2], $0x80, v4, vm0, $0xb8;
	[tilespmem:$0x18080] =	vst v63  }
0x14c: {  	s9 =	simm.s32 $0x16080  }
0x14d: {  	[tilespmem:s9], [sflag:$0x1] =	stream.indirect_vreg.gather [hbm4b:s5+s2], $0x80, v4, vm0, $0xb8;
	[tilespmem:$0x18080] =	vst v63  }
0x14e: {  	s9 =	simm.s32 $0x16880  }
0x14f: {  	[tilespmem:s9], [sflag:$0x1] =	stream.indirect_vreg.gather [hbm4b:s3+s2], $0x80, v3, vm0, $0xb8;
	[tilespmem:$0x18080] =	vst v63  }
0x150: {  	s9 =	simm.s32 $0x17080  }
0x151: {  	[tilespmem:s9], [sflag:$0x1] =	stream.indirect_vreg.gather [hbm4b:s4+s2], $0x80, v3, vm0, $0xb8;
	[tilespmem:$0x18080] =	vst v63  }
0x152: {  	s9 =	simm.s32 $0x17880  }
0x153: {  	[tilespmem:s9], [sflag:$0x1] =	stream.indirect_vreg.gather [hbm4b:s5+s2], $0x80, v3, vm0, $0xb8;
	[tilespmem:$0x18080] =	vst v63  }
0x154: {  	_ =	swait.ge [sflag:s1], $0x18000  }
0x155: {  	p0 =	sne.s32 s6, $0x1;
	s0 =	simm.s32 $0x80;
	[sflag:s1] =	ssyncset.done $0x0  }
.Ltmp0:
0x156: {  	s9 =	rddreg [dreg:$0x6];
	[sflag:s1] =	ssyncadd.s32 $0xFFFE8000;
	(pc) =	sbr.rel @p0 .LBB2_1-.Ltmp0, $4  }
0x157: {  	[hbm4b:s9+s2] =	stream.linear.scatter [tilespmem:s0], [sflag:$0x2], $0x18000, $0x38;
	[tilespmem:$0x18080] =	vst v63  }
0x158: {  	_ =	swait.ge [sflag:s7], $0x18000  }
0x159: {  	[sflag:s7] =	ssyncset.done $0x0  }
0x15a: {  	s6 =	sadd.s32 $0xFFFFFFFF, s6;
	[sflag:s7] =	ssyncadd.s32 $0xFFFE8000  }
0x15b: {  	_ =	sfence.sel $0x180000  }
0x15c: {  	[bflag:$0x0] =	sbarrier.arrive $0xFFFF  }
0x15d: {  	_ =	strace $0x9000004A  }
0x15e: {  	s0 =	stileid.u32;
	[bflag:$0x2] =	sbarrier.arrive $0xFFFF  }
0x15f: {  	p0 =	sne.s32 s0, $0x0;
	s0 =	rddreg [dreg:$0x2]  }
0x160: {  	s0 =	sadd.s32 @!p0 $0x100000, s0  }
0x161: {  	[sflag:s0] =	ssyncadd.tile.s32 @!p0 $0x1;
	_ =	shalt  }
.Lfunc_end2:
_tile_overlayer_lowered:
.L_overlay_start_2:
0x162: {  	(tag) =	ssettag $0x2  }
0x163: {  	s0 =	rddreg [dreg:$0x0];
	s2 =	stileid.u32  }
0x164: {  	s1 =	rddreg [dreg:$0x1];
	p0 =	sne.s32 s2, $0x0  }
0x165: {  	s3 =	rddreg [dreg:$0x2];
	[bflag:$0x3] =	sbarrier.arrive $0xFFFF;
	s2 =	simm.s32 @!p0 $0x1C02  }
0x166: {  	[timem:s3], [sflag:s2] =	dma.local @!p0 [hbm:s0], s1  }
0x167: {  	s0 =	simm.s32 @!p0 $0x2  }
0x168: {  	_ =	swait.ge @!p0 [sflag:s0], s1  }
0x169: {  	s1 =	ssub.s32 @!p0 $0x0, s1;
	[sflag:s0] =	ssyncset.done @!p0 $0x0  }
0x16a: {  	[sflag:s0] =	ssyncadd.s32 @!p0 s1  }
0x16b: {  	[bflag:$0x3] =	sbarrier.arrive $0xFFFF  }
0x16c: {  	_ =	shalt  }

</sc_bundles>
